<compile_context>
chip_gen: v7x
topology: tpu7x:2x2x1
jax: 0.10.2.dev20260603
libtpu: 0.0.44.dev20260713+nightly
codegen_flags: <defaults>
</compile_context>

<pallas_src>
import functools

import jax
import jax.numpy as jnp
from jax import lax
from jax.experimental import pallas as pl
from jax.experimental.pallas import tpu as pltpu
from jax.experimental.pallas import tpu_sc as plsc

N = 10000
E = 320000
D_IN = 128
HID = 64
NG = 64
GF = 128
N_PAD = 10240
NC = 2
NS = 16
NW = NC * NS
CH = 400
ROWS_T = 25
EPT = ROWS_T * CH
E_PAD = NW * EPT
PADN = N_PAD - 1
RPT = N_PAD // NS

def _deg_body(dst_hbm, ones_hbm, out_hbm, dst_all, ones_v, bounce, acc):
    c = lax.axis_index("c")
    s = lax.axis_index("s")
    wid = s * NC + c
    pltpu.sync_copy(dst_hbm.at[wid], dst_all)
    pltpu.sync_copy(ones_hbm.at[pl.ds(0, CH)], ones_v)
    pltpu.sync_copy(ones_hbm.at[pl.ds(s * RPT, RPT)], bounce)
    pltpu.sync_copy(bounce, acc.at[pl.ds(s * RPT, RPT)])
    plsc.subcore_barrier()

    def chunk(i, carry):
        pltpu.sync_copy(ones_v, acc.at[dst_all.at[i]], add=True)
        return carry

    lax.fori_loop(0, ROWS_T, chunk, 0)
    plsc.subcore_barrier()
    pltpu.sync_copy(acc.at[pl.ds(s * RPT, RPT)], bounce)
    pltpu.sync_copy(bounce, out_hbm.at[c].at[pl.ds(s * RPT, RPT)])


def _scatter_body(p_hbm, src_hbm, dst_hbm, out_hbm,
                  src_all, dst_all, rows0, rows1, bounce, acc,
                  sem0, sem1, sem2, sem3):
    c = lax.axis_index("c")
    s = lax.axis_index("s")
    wid = s * NC + c
    pltpu.sync_copy(src_hbm.at[wid], src_all)
    pltpu.sync_copy(dst_hbm.at[wid], dst_all)
    pltpu.sync_copy(p_hbm.at[pl.ds(s * RPT, RPT)], bounce)
    pltpu.sync_copy(bounce, acc.at[pl.ds(s * RPT, RPT)])
    plsc.subcore_barrier()

    def g_start(j, buf, sem):
        pltpu.async_copy(p_hbm.at[src_all.at[j]], buf, sem)

    def g_wait(buf, sem):
        pltpu.make_async_copy(p_hbm.at[src_all.at[0]], buf, sem).wait()

    g_start(0, rows0, sem0)

    def pair(k, carry):
        i = 2 * k
        g_start(i + 1, rows1, sem1)
        g_wait(rows0, sem0)
        pltpu.sync_copy(rows0, acc.at[dst_all.at[i]], add=True)
        g_start(i + 2, rows0, sem0)
        g_wait(rows1, sem1)
        pltpu.sync_copy(rows1, acc.at[dst_all.at[i + 1]], add=True)
        return carry

    lax.fori_loop(0, (ROWS_T - 1) // 2, pair, 0)
    g_wait(rows0, sem0)
    pltpu.sync_copy(rows0, acc.at[dst_all.at[ROWS_T - 1]], add=True)
    plsc.subcore_barrier()
    pltpu.sync_copy(acc.at[pl.ds(s * RPT, RPT)], bounce)
    pltpu.sync_copy(bounce, out_hbm.at[c].at[pl.ds(s * RPT, RPT)])


@functools.cache
def _sc_kernels():
    mesh = plsc.VectorSubcoreMesh(core_axis_name="c", subcore_axis_name="s")
    deg_kernel = pl.kernel(
        _deg_body,
        mesh=mesh,
        compiler_params=pltpu.CompilerParams(use_tc_tiling_on_sc=False),
        out_type=jax.ShapeDtypeStruct((NC, N_PAD, 8), jnp.float32),
        scratch_types=[
            pltpu.VMEM((ROWS_T, CH), jnp.int32),
            pltpu.VMEM((CH, 8), jnp.float32),
            pltpu.VMEM((RPT, 8), jnp.float32),
            pltpu.VMEM_SHARED((N_PAD, 8), jnp.float32),
        ],
    )
    scatter_kernel = pl.kernel(
        _scatter_body,
        mesh=mesh,
        compiler_params=pltpu.CompilerParams(use_tc_tiling_on_sc=False),
        out_type=jax.ShapeDtypeStruct((NC, N_PAD, HID), jnp.bfloat16),
        scratch_types=[
            pltpu.VMEM((ROWS_T, CH), jnp.int32),
            pltpu.VMEM((ROWS_T, CH), jnp.int32),
            pltpu.VMEM((CH, HID), jnp.bfloat16),
            pltpu.VMEM((CH, HID), jnp.bfloat16),
            pltpu.VMEM((RPT, HID), jnp.bfloat16),
            pltpu.VMEM_SHARED((N_PAD, HID), jnp.bfloat16),
            pltpu.SemaphoreType.DMA,
            pltpu.SemaphoreType.DMA,
            pltpu.SemaphoreType.DMA,
            pltpu.SemaphoreType.DMA,
        ],
    )
    return deg_kernel, scatter_kernel


def _stage_b(x_ref, w1_ref, deg_ref, p_ref, dinv_ref):
    deg = deg_ref[0, :, 0:1] + deg_ref[1, :, 0:1] - 1.0
    dinv = lax.rsqrt(deg)
    h = jnp.dot(x_ref[...], w1_ref[...], preferred_element_type=jnp.float32)
    p_ref[...] = (h * dinv).astype(jnp.bfloat16)
    dinv_ref[...] = dinv


def _stage_d(s_ref, p_ref, dinv_ref, b1_ref, w2_ref, p2_ref):
    dinv = dinv_ref[...]
    edge_sum = (s_ref[0].astype(jnp.float32) + s_ref[1].astype(jnp.float32)
                - p_ref[...].astype(jnp.float32))
    z = jnp.maximum(edge_sum * dinv + b1_ref[...], 0.0)
    h2 = jnp.dot(z, w2_ref[...], preferred_element_type=jnp.float32)
    p2_ref[...] = (h2 * dinv).astype(jnp.bfloat16)


def _stage_f(s_ref, p_ref, dinv_ref, b2_ref, batch_ref, gf_ref, wg_ref,
             bg_ref, gamma_ref, beta_ref, wc1_ref, bc1_ref, wc2_ref,
             bc2_ref, out_ref):
    edge_sum = (s_ref[0].astype(jnp.float32) + s_ref[1].astype(jnp.float32)
                - p_ref[...].astype(jnp.float32))
    z2 = jnp.maximum(edge_sum * dinv_ref[...] + b2_ref[...], 0.0)
    seg = lax.broadcasted_iota(jnp.int32, (NG, N_PAD), 0)
    oh = (seg == batch_ref[...]).astype(jnp.float32)
    sums = jnp.dot(oh, z2, preferred_element_type=jnp.float32)
    cnt = jnp.sum(oh, axis=1, keepdims=True)
    node_feat = sums / jnp.maximum(cnt, 1.0)
    g = jnp.dot(gf_ref[...], wg_ref[...],
                preferred_element_type=jnp.float32) + bg_ref[...]
    mean = jnp.mean(g, axis=0, keepdims=True)
    var = jnp.mean((g - mean) * (g - mean), axis=0, keepdims=True)
    g = gamma_ref[...] * (g - mean) / jnp.sqrt(var + 1e-5) + beta_ref[...]
    g = jnp.maximum(g, 0.0)
    comb = jnp.concatenate([node_feat, g], axis=1)
    hidden = jnp.maximum(
        jnp.dot(comb, wc1_ref[...], preferred_element_type=jnp.float32)
        + bc1_ref[...], 0.0)
    out_ref[...] = (jnp.dot(hidden, wc2_ref[...],
                            preferred_element_type=jnp.float32)
                    + bc2_ref[...])


def kernel(x, edge_index, batch, graph_features, W1, b1, W2, b2, Wg, bg,
           gamma, beta, Wc1, bc1, Wc2, bc2):
    ei = edge_index.astype(jnp.int32)
    pad = jnp.full((E_PAD - E,), PADN, jnp.int32)
    src2 = jnp.concatenate([ei[0], pad]).reshape(NW, ROWS_T, CH)
    dst2 = jnp.concatenate([ei[1], pad]).reshape(NW, ROWS_T, CH)
    ones8 = jnp.ones((N_PAD, 8), jnp.float32)

    deg_kernel, scatter_kernel = _sc_kernels()
    deg = deg_kernel(dst2, ones8)

    x_pad = jnp.concatenate(
        [x, jnp.zeros((N_PAD - N, D_IN), jnp.float32)], axis=0)
    p1, dinv = pl.pallas_call(
        _stage_b,
        out_shape=[
            jax.ShapeDtypeStruct((N_PAD, HID), jnp.bfloat16),
            jax.ShapeDtypeStruct((N_PAD, 1), jnp.float32),
        ],
    )(x_pad, W1, deg)

    s1 = scatter_kernel(p1, src2, dst2)

    p2 = pl.pallas_call(
        _stage_d,
        out_shape=jax.ShapeDtypeStruct((N_PAD, HID), jnp.bfloat16),
    )(s1, p1, dinv, b1, W2)

    s2 = scatter_kernel(p2, src2, dst2)

    batch_row = jnp.concatenate(
        [batch.astype(jnp.int32),
         jnp.full((N_PAD - N,), NG, jnp.int32)]).reshape(1, N_PAD)
    out = pl.pallas_call(
        _stage_f,
        out_shape=jax.ShapeDtypeStruct((NG, 1), jnp.float32),
    )(s2, p2, dinv, b2, batch_row, graph_features, Wg, bg, gamma, beta,
      Wc1, bc1, Wc2, bc2)
    return out

# --- scband reference (transcript-rebuilt; emitter-appended) ---
"""Pipeline reference for scband-hybrid-graph-model-28913719837317 (READ-ONLY COPY).

The authoritative reference and input builder live on the scoring server;
editing this copy changes nothing except your own understanding.
"""

import jax, jax.numpy as jnp
import numpy as np

N_NODES = 10000
N_EDGES = 320000
D_IN = 128
HID = 64
N_GRAPHS = 64
G_FEAT = 128
NUM_CLASSES = 1


def setup_inputs(seed: int = 0) -> dict:
    key = jax.random.key(seed)
    ks = jax.random.split(key, 16)
    x = jax.random.normal(ks[0], (N_NODES, D_IN), dtype=jnp.float32)
    edge_index = jax.random.randint(ks[1], (2, N_EDGES), 0, N_NODES, dtype=jnp.int64)
    batch = jnp.sort(jax.random.randint(ks[2], (N_NODES,), 0, N_GRAPHS, dtype=jnp.int64))
    graph_features = jax.random.normal(ks[3], (N_GRAPHS, G_FEAT), dtype=jnp.float32)
    s1 = 1.0 / np.sqrt(D_IN)
    s2 = 1.0 / np.sqrt(HID)
    sg = 1.0 / np.sqrt(G_FEAT)
    sc = 1.0 / np.sqrt(2 * HID)
    sc2 = 1.0 / np.sqrt(HID // 2)
    W1 = jax.random.uniform(ks[4], (D_IN, HID), minval=-s1, maxval=s1, dtype=jnp.float32)
    b1 = jnp.zeros((HID,), dtype=jnp.float32)
    W2 = jax.random.uniform(ks[5], (HID, HID), minval=-s2, maxval=s2, dtype=jnp.float32)
    b2 = jnp.zeros((HID,), dtype=jnp.float32)
    Wg = jax.random.uniform(ks[6], (G_FEAT, HID), minval=-sg, maxval=sg, dtype=jnp.float32)
    bg = jax.random.uniform(ks[7], (HID,), minval=-sg, maxval=sg, dtype=jnp.float32)
    gamma = jnp.ones((HID,), dtype=jnp.float32)
    beta = jnp.zeros((HID,), dtype=jnp.float32)
    Wc1 = jax.random.uniform(ks[8], (2 * HID, HID // 2), minval=-sc, maxval=sc, dtype=jnp.float32)
    bc1 = jax.random.uniform(ks[9], (HID // 2,), minval=-sc, maxval=sc, dtype=jnp.float32)
    Wc2 = jax.random.uniform(ks[10], (HID // 2, NUM_CLASSES), minval=-sc2, maxval=sc2, dtype=jnp.float32)
    bc2 = jax.random.uniform(ks[11], (NUM_CLASSES,), minval=-sc2, maxval=sc2, dtype=jnp.float32)
    return {"x": x, "edge_index": edge_index, "batch": batch, "graph_features": graph_features,
            "W1": W1, "b1": b1, "W2": W2, "b2": b2, "Wg": Wg, "bg": bg,
            "gamma": gamma, "beta": beta, "Wc1": Wc1, "bc1": bc1, "Wc2": Wc2, "bc2": bc2}


def _gcn_conv(x, edge_index, W, b):
    n = x.shape[0]
    loop = jnp.arange(n, dtype=edge_index.dtype)
    src = jnp.concatenate([edge_index[0], loop])
    dst = jnp.concatenate([edge_index[1], loop])
    h = x @ W
    deg = jnp.zeros((n,), dtype=x.dtype).at[dst].add(1.0)
    dinv = jnp.where(deg > 0, 1.0 / jnp.sqrt(deg), 0.0)
    norm = dinv[src] * dinv[dst]
    msg = h[src] * norm[:, None]
    out = jax.ops.segment_sum(msg, dst, num_segments=n)
    return out + b


def _global_mean_pool(x, batch, num_graphs):
    s = jax.ops.segment_sum(x, batch, num_segments=num_graphs)
    cnt = jax.ops.segment_sum(jnp.ones((x.shape[0],), dtype=x.dtype), batch, num_segments=num_graphs)
    return s / jnp.maximum(cnt, 1.0)[:, None]


def _batchnorm(x, gamma, beta, eps=1e-5):
    mean = jnp.mean(x, axis=0)
    var = jnp.var(x, axis=0)
    return gamma * (x - mean) / jnp.sqrt(var + eps) + beta


def reference(x, edge_index, batch, graph_features, W1, b1, W2, b2, Wg, bg, gamma, beta, Wc1, bc1, Wc2, bc2):
    # node branch: GCNConv -> ReLU -> (Dropout: identity in eval) -> GCNConv -> ReLU -> global_mean_pool
    h = _gcn_conv(x, edge_index, W1, b1)
    h = jax.nn.relu(h)
    h = _gcn_conv(h, edge_index, W2, b2)
    h = jax.nn.relu(h)
    node_feat = _global_mean_pool(h, batch, N_GRAPHS)
    # graph branch: Linear -> BatchNorm1d -> ReLU -> (Dropout: identity)
    g = graph_features @ Wg + bg
    g = _batchnorm(g, gamma, beta)
    g = jax.nn.relu(g)
    combined = jnp.concatenate([node_feat, g], axis=1)
    out = jax.nn.relu(combined @ Wc1 + bc1)
    out = out @ Wc2 + bc2
    return out

if __name__ == "__main__":
    import jax
    _d = setup_inputs()
    print(jax.jit(kernel)(*tuple(_d.values())))

</pallas_src>

<mosaic_0001>
#map = affine_map<(d0, d1) -> (0, 0, 0)>
#map1 = affine_map<(d0, d1) -> (0, 0)>
module attributes {stable_mosaic.version = 14 : i64} {
  func.func @_deg_body(%arg0: i32, %arg1: i32, %arg2: memref<32x25x400xi32, #tpu.memory_space<hbm>>, %arg3: memref<10240x8xf32, #tpu.memory_space<hbm>>, %arg4: memref<2x10240x8xf32, #tpu.memory_space<hbm>>, %arg5: memref<25x400xi32, #tpu.memory_space<vmem>>, %arg6: memref<400x8xf32, #tpu.memory_space<vmem>>, %arg7: memref<640x8xf32, #tpu.memory_space<vmem>>, %arg8: memref<10240x8xf32, #tpu.memory_space<vmem_shared>>) attributes {dimension_semantics = [#tpu.dimension_semantics<core_parallel>, #tpu.dimension_semantics<subcore_parallel>], iteration_bounds = array<i64: 2, 16>, scalar_prefetch = 0 : i64, scratch_operands = 4 : i64, tpu.core_type = #tpu.core_type<sc_vector_subcore>, window_params = [{transform_indices = #map}, {transform_indices = #map1}, {transform_indices = #map}]} {
    %mul3A = arith.constant 2 : i32
    %mul3A_0 = arith.muli %arg1, %mul3A : i32
    %add3A = arith.addi %mul3A_0, %arg0 : i32
    "tpu.region"() ({
      %run_scoped3A = tpu.sem_alloc : memref<!tpu.dma_semaphore, #tpu.memory_space<semaphore_mem>>
      %dma_start3A = arith.constant 0 : i32
      %dma_start3A_15 = arith.constant 0 : i32
      %dma_start3A_16 = tpu.memref_slice %arg2[%add3A, %dma_start3A, %dma_start3A_15] : memref<32x25x400xi32, #tpu.memory_space<hbm>> -> memref<1x25x400xi32, #tpu.memory_space<hbm>>
      %dma_start3A_17 = tpu.memref_squeeze %dma_start3A_16 : memref<1x25x400xi32, #tpu.memory_space<hbm>> -> memref<25x400xi32, #tpu.memory_space<hbm>>
      %dma_start3A_18 = arith.constant 0 : i32
      %dma_start3A_19 = arith.constant 0 : i32
      %dma_start3A_20 = tpu.memref_slice %arg2[%add3A, %dma_start3A_18, %dma_start3A_19] : memref<32x25x400xi32, #tpu.memory_space<hbm>> -> memref<1x25x400xi32, #tpu.memory_space<hbm>>
      %dma_start3A_21 = tpu.memref_squeeze %dma_start3A_20 : memref<1x25x400xi32, #tpu.memory_space<hbm>> -> memref<25x400xi32, #tpu.memory_space<hbm>>
      tpu.enqueue_dma source(%dma_start3A_21 : memref<25x400xi32, #tpu.memory_space<hbm>>) target(%arg5 : memref<25x400xi32, #tpu.memory_space<vmem>>) target_semaphore(%run_scoped3A : memref<!tpu.dma_semaphore, #tpu.memory_space<semaphore_mem>>)
      %dma_wait3A = arith.constant 0 : i32
      %dma_wait3A_22 = arith.constant 0 : i32
      %dma_wait3A_23 = tpu.memref_slice %arg2[%add3A, %dma_wait3A, %dma_wait3A_22] : memref<32x25x400xi32, #tpu.memory_space<hbm>> -> memref<1x25x400xi32, #tpu.memory_space<hbm>>
      %dma_wait3A_24 = tpu.memref_squeeze %dma_wait3A_23 : memref<1x25x400xi32, #tpu.memory_space<hbm>> -> memref<25x400xi32, #tpu.memory_space<hbm>>
      %dma_wait3A_25 = arith.constant 0 : i32
      %dma_wait3A_26 = arith.constant 0 : i32
      %dma_wait3A_27 = tpu.memref_slice %arg2[%add3A, %dma_wait3A_25, %dma_wait3A_26] : memref<32x25x400xi32, #tpu.memory_space<hbm>> -> memref<1x25x400xi32, #tpu.memory_space<hbm>>
      %dma_wait3A_28 = tpu.memref_squeeze %dma_wait3A_27 : memref<1x25x400xi32, #tpu.memory_space<hbm>> -> memref<25x400xi32, #tpu.memory_space<hbm>>
      tpu.wait_dma2 semaphore(%run_scoped3A : memref<!tpu.dma_semaphore, #tpu.memory_space<semaphore_mem>>) src(%dma_wait3A_28 : memref<25x400xi32, #tpu.memory_space<hbm>>) dst(%arg5 : memref<25x400xi32, #tpu.memory_space<vmem>>)
      tpu.yield
    }) : () -> ()
    "tpu.region"() ({
      %run_scoped3A = tpu.sem_alloc : memref<!tpu.dma_semaphore, #tpu.memory_space<semaphore_mem>>
      %dma_start3A = arith.constant 0 : i32
      %dma_start3A_15 = arith.constant 0 : i32
      %dma_start3A_16 = tpu.memref_slice %arg3[%dma_start3A, %dma_start3A_15] : memref<10240x8xf32, #tpu.memory_space<hbm>> -> memref<400x8xf32, #tpu.memory_space<hbm>>
      %dma_start3A_17 = arith.constant 0 : i32
      %dma_start3A_18 = arith.constant 0 : i32
      %dma_start3A_19 = tpu.memref_slice %arg3[%dma_start3A_17, %dma_start3A_18] : memref<10240x8xf32, #tpu.memory_space<hbm>> -> memref<400x8xf32, #tpu.memory_space<hbm>>
      tpu.enqueue_dma source(%dma_start3A_19 : memref<400x8xf32, #tpu.memory_space<hbm>>) target(%arg6 : memref<400x8xf32, #tpu.memory_space<vmem>>) target_semaphore(%run_scoped3A : memref<!tpu.dma_semaphore, #tpu.memory_space<semaphore_mem>>)
      %dma_wait3A = arith.constant 0 : i32
      %dma_wait3A_20 = arith.constant 0 : i32
      %dma_wait3A_21 = tpu.memref_slice %arg3[%dma_wait3A, %dma_wait3A_20] : memref<10240x8xf32, #tpu.memory_space<hbm>> -> memref<400x8xf32, #tpu.memory_space<hbm>>
      %dma_wait3A_22 = arith.constant 0 : i32
      %dma_wait3A_23 = arith.constant 0 : i32
      %dma_wait3A_24 = tpu.memref_slice %arg3[%dma_wait3A_22, %dma_wait3A_23] : memref<10240x8xf32, #tpu.memory_space<hbm>> -> memref<400x8xf32, #tpu.memory_space<hbm>>
      tpu.wait_dma2 semaphore(%run_scoped3A : memref<!tpu.dma_semaphore, #tpu.memory_space<semaphore_mem>>) src(%dma_wait3A_24 : memref<400x8xf32, #tpu.memory_space<hbm>>) dst(%arg6 : memref<400x8xf32, #tpu.memory_space<vmem>>)
      tpu.yield
    }) : () -> ()
    %mul3A_1 = arith.constant 640 : i32
    %mul3A_2 = arith.muli %arg1, %mul3A_1 : i32
    "tpu.region"() ({
      %run_scoped3A = tpu.sem_alloc : memref<!tpu.dma_semaphore, #tpu.memory_space<semaphore_mem>>
      %dma_start3A = arith.constant 0 : i32
      %dma_start3A_15 = tpu.memref_slice %arg3[%mul3A_2, %dma_start3A] : memref<10240x8xf32, #tpu.memory_space<hbm>> -> memref<640x8xf32, #tpu.memory_space<hbm>>
      %dma_start3A_16 = arith.constant 0 : i32
      %dma_start3A_17 = tpu.memref_slice %arg3[%mul3A_2, %dma_start3A_16] : memref<10240x8xf32, #tpu.memory_space<hbm>> -> memref<640x8xf32, #tpu.memory_space<hbm>>
      tpu.enqueue_dma source(%dma_start3A_17 : memref<640x8xf32, #tpu.memory_space<hbm>>) target(%arg7 : memref<640x8xf32, #tpu.memory_space<vmem>>) target_semaphore(%run_scoped3A : memref<!tpu.dma_semaphore, #tpu.memory_space<semaphore_mem>>)
      %dma_wait3A = arith.constant 0 : i32
      %dma_wait3A_18 = tpu.memref_slice %arg3[%mul3A_2, %dma_wait3A] : memref<10240x8xf32, #tpu.memory_space<hbm>> -> memref<640x8xf32, #tpu.memory_space<hbm>>
      %dma_wait3A_19 = arith.constant 0 : i32
      %dma_wait3A_20 = tpu.memref_slice %arg3[%mul3A_2, %dma_wait3A_19] : memref<10240x8xf32, #tpu.memory_space<hbm>> -> memref<640x8xf32, #tpu.memory_space<hbm>>
      tpu.wait_dma2 semaphore(%run_scoped3A : memref<!tpu.dma_semaphore, #tpu.memory_space<semaphore_mem>>) src(%dma_wait3A_20 : memref<640x8xf32, #tpu.memory_space<hbm>>) dst(%arg7 : memref<640x8xf32, #tpu.memory_space<vmem>>)
      tpu.yield
    }) : () -> ()
    %mul3A_3 = arith.constant 640 : i32
    %mul3A_4 = arith.muli %arg1, %mul3A_3 : i32
    "tpu.region"() ({
      %run_scoped3A = tpu.sem_alloc : memref<!tpu.dma_semaphore, #tpu.memory_space<semaphore_mem>>
      %dma_start3A = arith.constant 0 : i32
      %dma_start3A_15 = tpu.memref_slice %arg8[%mul3A_4, %dma_start3A] : memref<10240x8xf32, #tpu.memory_space<vmem_shared>> -> memref<640x8xf32, #tpu.memory_space<vmem_shared>>
      %dma_start3A_16 = arith.constant 0 : i32
      %dma_start3A_17 = tpu.memref_slice %arg8[%mul3A_4, %dma_start3A_16] : memref<10240x8xf32, #tpu.memory_space<vmem_shared>> -> memref<640x8xf32, #tpu.memory_space<vmem_shared>>
      tpu.enqueue_dma source(%arg7 : memref<640x8xf32, #tpu.memory_space<vmem>>) target(%dma_start3A_17 : memref<640x8xf32, #tpu.memory_space<vmem_shared>>) target_semaphore(%run_scoped3A : memref<!tpu.dma_semaphore, #tpu.memory_space<semaphore_mem>>)
      %dma_wait3A = arith.constant 0 : i32
      %dma_wait3A_18 = tpu.memref_slice %arg8[%mul3A_4, %dma_wait3A] : memref<10240x8xf32, #tpu.memory_space<vmem_shared>> -> memref<640x8xf32, #tpu.memory_space<vmem_shared>>
      %dma_wait3A_19 = arith.constant 0 : i32
      %dma_wait3A_20 = tpu.memref_slice %arg8[%mul3A_4, %dma_wait3A_19] : memref<10240x8xf32, #tpu.memory_space<vmem_shared>> -> memref<640x8xf32, #tpu.memory_space<vmem_shared>>
      tpu.wait_dma2 semaphore(%run_scoped3A : memref<!tpu.dma_semaphore, #tpu.memory_space<semaphore_mem>>) src(%arg7 : memref<640x8xf32, #tpu.memory_space<vmem>>) dst(%dma_wait3A_20 : memref<640x8xf32, #tpu.memory_space<vmem_shared>>)
      tpu.yield
    }) : () -> ()
    %barrier3A = arith.constant 0 : index
    tpu.barrier barrier_id(%barrier3A)
    %scan3A = arith.constant 0 : i32
    %scan3A_5 = arith.constant 0 : i32
    %scan3A_6 = arith.constant 25 : i32
    %scan3A_7 = arith.addi %scan3A_5, %scan3A_6 : i32
    %scan3A_8 = arith.constant 1 : i32
    scf.for %scan3A_15 = %scan3A_5 to %scan3A_7 step %scan3A_8  : i32 {
      "tpu.region"() ({
        %run_scoped3A = tpu.sem_alloc : memref<!tpu.dma_semaphore, #tpu.memory_space<semaphore_mem>>
        %dma_start3A = arith.constant 0 : i32
        %dma_start3A_16 = tpu.memref_slice %arg5[%scan3A_15, %dma_start3A] : memref<25x400xi32, #tpu.memory_space<vmem>> -> memref<1x400xi32, #tpu.memory_space<vmem>>
        %dma_start3A_17 = tpu.memref_squeeze %dma_start3A_16 : memref<1x400xi32, #tpu.memory_space<vmem>> -> memref<400xi32, #tpu.memory_space<vmem>>
        %dma_start3A_18 = arith.constant 0 : i32
        %dma_start3A_19 = arith.constant 0 : i32
        %dma_start3A_20 = tpu.memref_slice %arg8[%dma_start3A_18, %dma_start3A_19] : memref<10240x8xf32, #tpu.memory_space<vmem_shared>> -> memref<10240x8xf32, #tpu.memory_space<vmem_shared>>
        tpu.enqueue_indirect_dma source(%arg6 : memref<400x8xf32, #tpu.memory_space<vmem>>) target(%dma_start3A_20 : memref<10240x8xf32, #tpu.memory_space<vmem_shared>>) offsets(%dma_start3A_17 : memref<400xi32, #tpu.memory_space<vmem>>) semaphore(%run_scoped3A : memref<!tpu.dma_semaphore, #tpu.memory_space<semaphore_mem>>) {add = true}
        %dma_wait3A = arith.constant 0 : i32
        %dma_wait3A_21 = tpu.memref_slice %arg5[%scan3A_15, %dma_wait3A] : memref<25x400xi32, #tpu.memory_space<vmem>> -> memref<1x400xi32, #tpu.memory_space<vmem>>
        %dma_wait3A_22 = tpu.memref_squeeze %dma_wait3A_21 : memref<1x400xi32, #tpu.memory_space<vmem>> -> memref<400xi32, #tpu.memory_space<vmem>>
        %dma_wait3A_23 = arith.constant 0 : i32
        %dma_wait3A_24 = arith.constant 0 : i32
        %dma_wait3A_25 = tpu.memref_slice %arg8[%dma_wait3A_23, %dma_wait3A_24] : memref<10240x8xf32, #tpu.memory_space<vmem_shared>> -> memref<10240x8xf32, #tpu.memory_space<vmem_shared>>
        tpu.wait_indirect_dma semaphore(%run_scoped3A : memref<!tpu.dma_semaphore, #tpu.memory_space<semaphore_mem>>) src(%arg6 : memref<400x8xf32, #tpu.memory_space<vmem>>) dst(%dma_wait3A_25 : memref<10240x8xf32, #tpu.memory_space<vmem_shared>>)
        tpu.yield
      }) : () -> ()
    }
    %scan3A_9 = arith.constant 25 : i32
    %barrier3A_10 = arith.constant 0 : index
    tpu.barrier barrier_id(%barrier3A_10)
    %mul3A_11 = arith.constant 640 : i32
    %mul3A_12 = arith.muli %arg1, %mul3A_11 : i32
    "tpu.region"() ({
      %run_scoped3A = tpu.sem_alloc : memref<!tpu.dma_semaphore, #tpu.memory_space<semaphore_mem>>
      %dma_start3A = arith.constant 0 : i32
      %dma_start3A_15 = tpu.memref_slice %arg8[%mul3A_12, %dma_start3A] : memref<10240x8xf32, #tpu.memory_space<vmem_shared>> -> memref<640x8xf32, #tpu.memory_space<vmem_shared>>
      %dma_start3A_16 = arith.constant 0 : i32
      %dma_start3A_17 = tpu.memref_slice %arg8[%mul3A_12, %dma_start3A_16] : memref<10240x8xf32, #tpu.memory_space<vmem_shared>> -> memref<640x8xf32, #tpu.memory_space<vmem_shared>>
      tpu.enqueue_dma source(%dma_start3A_17 : memref<640x8xf32, #tpu.memory_space<vmem_shared>>) target(%arg7 : memref<640x8xf32, #tpu.memory_space<vmem>>) target_semaphore(%run_scoped3A : memref<!tpu.dma_semaphore, #tpu.memory_space<semaphore_mem>>)
      %dma_wait3A = arith.constant 0 : i32
      %dma_wait3A_18 = tpu.memref_slice %arg8[%mul3A_12, %dma_wait3A] : memref<10240x8xf32, #tpu.memory_space<vmem_shared>> -> memref<640x8xf32, #tpu.memory_space<vmem_shared>>
      %dma_wait3A_19 = arith.constant 0 : i32
      %dma_wait3A_20 = tpu.memref_slice %arg8[%mul3A_12, %dma_wait3A_19] : memref<10240x8xf32, #tpu.memory_space<vmem_shared>> -> memref<640x8xf32, #tpu.memory_space<vmem_shared>>
      tpu.wait_dma2 semaphore(%run_scoped3A : memref<!tpu.dma_semaphore, #tpu.memory_space<semaphore_mem>>) src(%dma_wait3A_20 : memref<640x8xf32, #tpu.memory_space<vmem_shared>>) dst(%arg7 : memref<640x8xf32, #tpu.memory_space<vmem>>)
      tpu.yield
    }) : () -> ()
    %mul3A_13 = arith.constant 640 : i32
    %mul3A_14 = arith.muli %arg1, %mul3A_13 : i32
    "tpu.region"() ({
      %run_scoped3A = tpu.sem_alloc : memref<!tpu.dma_semaphore, #tpu.memory_space<semaphore_mem>>
      %dma_start3A = arith.constant 0 : i32
      %dma_start3A_15 = arith.constant 0 : i32
      %dma_start3A_16 = tpu.memref_slice %arg4[%arg0, %dma_start3A, %dma_start3A_15] : memref<2x10240x8xf32, #tpu.memory_space<hbm>> -> memref<1x10240x8xf32, #tpu.memory_space<hbm>>
      %dma_start3A_17 = tpu.memref_squeeze %dma_start3A_16 : memref<1x10240x8xf32, #tpu.memory_space<hbm>> -> memref<10240x8xf32, #tpu.memory_space<hbm>>
      %dma_start3A_18 = arith.constant 0 : i32
      %dma_start3A_19 = tpu.memref_slice %dma_start3A_17[%mul3A_14, %dma_start3A_18] : memref<10240x8xf32, #tpu.memory_space<hbm>> -> memref<640x8xf32, #tpu.memory_space<hbm>>
      %dma_start3A_20 = arith.constant 0 : i32
      %dma_start3A_21 = arith.constant 0 : i32
      %dma_start3A_22 = tpu.memref_slice %arg4[%arg0, %dma_start3A_20, %dma_start3A_21] : memref<2x10240x8xf32, #tpu.memory_space<hbm>> -> memref<1x10240x8xf32, #tpu.memory_space<hbm>>
      %dma_start3A_23 = tpu.memref_squeeze %dma_start3A_22 : memref<1x10240x8xf32, #tpu.memory_space<hbm>> -> memref<10240x8xf32, #tpu.memory_space<hbm>>
      %dma_start3A_24 = arith.constant 0 : i32
      %dma_start3A_25 = tpu.memref_slice %dma_start3A_23[%mul3A_14, %dma_start3A_24] : memref<10240x8xf32, #tpu.memory_space<hbm>> -> memref<640x8xf32, #tpu.memory_space<hbm>>
      tpu.enqueue_dma source(%arg7 : memref<640x8xf32, #tpu.memory_space<vmem>>) target(%dma_start3A_25 : memref<640x8xf32, #tpu.memory_space<hbm>>) target_semaphore(%run_scoped3A : memref<!tpu.dma_semaphore, #tpu.memory_space<semaphore_mem>>)
      %dma_wait3A = arith.constant 0 : i32
      %dma_wait3A_26 = arith.constant 0 : i32
      %dma_wait3A_27 = tpu.memref_slice %arg4[%arg0, %dma_wait3A, %dma_wait3A_26] : memref<2x10240x8xf32, #tpu.memory_space<hbm>> -> memref<1x10240x8xf32, #tpu.memory_space<hbm>>
      %dma_wait3A_28 = tpu.memref_squeeze %dma_wait3A_27 : memref<1x10240x8xf32, #tpu.memory_space<hbm>> -> memref<10240x8xf32, #tpu.memory_space<hbm>>
      %dma_wait3A_29 = arith.constant 0 : i32
      %dma_wait3A_30 = tpu.memref_slice %dma_wait3A_28[%mul3A_14, %dma_wait3A_29] : memref<10240x8xf32, #tpu.memory_space<hbm>> -> memref<640x8xf32, #tpu.memory_space<hbm>>
      %dma_wait3A_31 = arith.constant 0 : i32
      %dma_wait3A_32 = arith.constant 0 : i32
      %dma_wait3A_33 = tpu.memref_slice %arg4[%arg0, %dma_wait3A_31, %dma_wait3A_32] : memref<2x10240x8xf32, #tpu.memory_space<hbm>> -> memref<1x10240x8xf32, #tpu.memory_space<hbm>>
      %dma_wait3A_34 = tpu.memref_squeeze %dma_wait3A_33 : memref<1x10240x8xf32, #tpu.memory_space<hbm>> -> memref<10240x8xf32, #tpu.memory_space<hbm>>
      %dma_wait3A_35 = arith.constant 0 : i32
      %dma_wait3A_36 = tpu.memref_slice %dma_wait3A_34[%mul3A_14, %dma_wait3A_35] : memref<10240x8xf32, #tpu.memory_space<hbm>> -> memref<640x8xf32, #tpu.memory_space<hbm>>
      tpu.wait_dma2 semaphore(%run_scoped3A : memref<!tpu.dma_semaphore, #tpu.memory_space<semaphore_mem>>) src(%arg7 : memref<640x8xf32, #tpu.memory_space<vmem>>) dst(%dma_wait3A_36 : memref<640x8xf32, #tpu.memory_space<hbm>>)
      tpu.yield
    }) : () -> ()
    return
  }
}

#map = affine_map<(d0, d1) -> (0, 0)>
#map1 = affine_map<(d0, d1) -> (0, 0, 0)>
module attributes {stable_mosaic.version = 14 : i64} {
  func.func @_scatter_body(%arg0: i32, %arg1: i32, %arg2: memref<10240x64xbf16, #tpu.memory_space<hbm>>, %arg3: memref<32x25x400xi32, #tpu.memory_space<hbm>>, %arg4: memref<32x25x400xi32, #tpu.memory_space<hbm>>, %arg5: memref<2x10240x64xbf16, #tpu.memory_space<hbm>>, %arg6: memref<25x400xi32, #tpu.memory_space<vmem>>, %arg7: memref<25x400xi32, #tpu.memory_space<vmem>>, %arg8: memref<400x64xbf16, #tpu.memory_space<vmem>>, %arg9: memref<400x64xbf16, #tpu.memory_space<vmem>>, %arg10: memref<640x64xbf16, #tpu.memory_space<vmem>>, %arg11: memref<10240x64xbf16, #tpu.memory_space<vmem_shared>>, %arg12: memref<!tpu.dma_semaphore, #tpu.memory_space<semaphore_mem>>, %arg13: memref<!tpu.dma_semaphore, #tpu.memory_space<semaphore_mem>>, %arg14: memref<!tpu.dma_semaphore, #tpu.memory_space<semaphore_mem>>, %arg15: memref<!tpu.dma_semaphore, #tpu.memory_space<semaphore_mem>>) attributes {dimension_semantics = [#tpu.dimension_semantics<core_parallel>, #tpu.dimension_semantics<subcore_parallel>], iteration_bounds = array<i64: 2, 16>, scalar_prefetch = 0 : i64, scratch_operands = 10 : i64, tpu.core_type = #tpu.core_type<sc_vector_subcore>, window_params = [{transform_indices = #map}, {transform_indices = #map1}, {transform_indices = #map1}, {transform_indices = #map1}]} {
    %mul3A = arith.constant 2 : i32
    %mul3A_0 = arith.muli %arg1, %mul3A : i32
    %add3A = arith.addi %mul3A_0, %arg0 : i32
    "tpu.region"() ({
      %run_scoped3A_27 = tpu.sem_alloc : memref<!tpu.dma_semaphore, #tpu.memory_space<semaphore_mem>>
      %dma_start3A_28 = arith.constant 0 : i32
      %dma_start3A_29 = arith.constant 0 : i32
      %dma_start3A_30 = tpu.memref_slice %arg3[%add3A, %dma_start3A_28, %dma_start3A_29] : memref<32x25x400xi32, #tpu.memory_space<hbm>> -> memref<1x25x400xi32, #tpu.memory_space<hbm>>
      %dma_start3A_31 = tpu.memref_squeeze %dma_start3A_30 : memref<1x25x400xi32, #tpu.memory_space<hbm>> -> memref<25x400xi32, #tpu.memory_space<hbm>>
      %dma_start3A_32 = arith.constant 0 : i32
      %dma_start3A_33 = arith.constant 0 : i32
      %dma_start3A_34 = tpu.memref_slice %arg3[%add3A, %dma_start3A_32, %dma_start3A_33] : memref<32x25x400xi32, #tpu.memory_space<hbm>> -> memref<1x25x400xi32, #tpu.memory_space<hbm>>
      %dma_start3A_35 = tpu.memref_squeeze %dma_start3A_34 : memref<1x25x400xi32, #tpu.memory_space<hbm>> -> memref<25x400xi32, #tpu.memory_space<hbm>>
      tpu.enqueue_dma source(%dma_start3A_35 : memref<25x400xi32, #tpu.memory_space<hbm>>) target(%arg6 : memref<25x400xi32, #tpu.memory_space<vmem>>) target_semaphore(%run_scoped3A_27 : memref<!tpu.dma_semaphore, #tpu.memory_space<semaphore_mem>>)
      %dma_wait3A_36 = arith.constant 0 : i32
      %dma_wait3A_37 = arith.constant 0 : i32
      %dma_wait3A_38 = tpu.memref_slice %arg3[%add3A, %dma_wait3A_36, %dma_wait3A_37] : memref<32x25x400xi32, #tpu.memory_space<hbm>> -> memref<1x25x400xi32, #tpu.memory_space<hbm>>
      %dma_wait3A_39 = tpu.memref_squeeze %dma_wait3A_38 : memref<1x25x400xi32, #tpu.memory_space<hbm>> -> memref<25x400xi32, #tpu.memory_space<hbm>>
      %dma_wait3A_40 = arith.constant 0 : i32
      %dma_wait3A_41 = arith.constant 0 : i32
      %dma_wait3A_42 = tpu.memref_slice %arg3[%add3A, %dma_wait3A_40, %dma_wait3A_41] : memref<32x25x400xi32, #tpu.memory_space<hbm>> -> memref<1x25x400xi32, #tpu.memory_space<hbm>>
      %dma_wait3A_43 = tpu.memref_squeeze %dma_wait3A_42 : memref<1x25x400xi32, #tpu.memory_space<hbm>> -> memref<25x400xi32, #tpu.memory_space<hbm>>
      tpu.wait_dma2 semaphore(%run_scoped3A_27 : memref<!tpu.dma_semaphore, #tpu.memory_space<semaphore_mem>>) src(%dma_wait3A_43 : memref<25x400xi32, #tpu.memory_space<hbm>>) dst(%arg6 : memref<25x400xi32, #tpu.memory_space<vmem>>)
      tpu.yield
    }) : () -> ()
    "tpu.region"() ({
      %run_scoped3A_27 = tpu.sem_alloc : memref<!tpu.dma_semaphore, #tpu.memory_space<semaphore_mem>>
      %dma_start3A_28 = arith.constant 0 : i32
      %dma_start3A_29 = arith.constant 0 : i32
      %dma_start3A_30 = tpu.memref_slice %arg4[%add3A, %dma_start3A_28, %dma_start3A_29] : memref<32x25x400xi32, #tpu.memory_space<hbm>> -> memref<1x25x400xi32, #tpu.memory_space<hbm>>
      %dma_start3A_31 = tpu.memref_squeeze %dma_start3A_30 : memref<1x25x400xi32, #tpu.memory_space<hbm>> -> memref<25x400xi32, #tpu.memory_space<hbm>>
      %dma_start3A_32 = arith.constant 0 : i32
      %dma_start3A_33 = arith.constant 0 : i32
      %dma_start3A_34 = tpu.memref_slice %arg4[%add3A, %dma_start3A_32, %dma_start3A_33] : memref<32x25x400xi32, #tpu.memory_space<hbm>> -> memref<1x25x400xi32, #tpu.memory_space<hbm>>
      %dma_start3A_35 = tpu.memref_squeeze %dma_start3A_34 : memref<1x25x400xi32, #tpu.memory_space<hbm>> -> memref<25x400xi32, #tpu.memory_space<hbm>>
      tpu.enqueue_dma source(%dma_start3A_35 : memref<25x400xi32, #tpu.memory_space<hbm>>) target(%arg7 : memref<25x400xi32, #tpu.memory_space<vmem>>) target_semaphore(%run_scoped3A_27 : memref<!tpu.dma_semaphore, #tpu.memory_space<semaphore_mem>>)
      %dma_wait3A_36 = arith.constant 0 : i32
      %dma_wait3A_37 = arith.constant 0 : i32
      %dma_wait3A_38 = tpu.memref_slice %arg4[%add3A, %dma_wait3A_36, %dma_wait3A_37] : memref<32x25x400xi32, #tpu.memory_space<hbm>> -> memref<1x25x400xi32, #tpu.memory_space<hbm>>
      %dma_wait3A_39 = tpu.memref_squeeze %dma_wait3A_38 : memref<1x25x400xi32, #tpu.memory_space<hbm>> -> memref<25x400xi32, #tpu.memory_space<hbm>>
      %dma_wait3A_40 = arith.constant 0 : i32
      %dma_wait3A_41 = arith.constant 0 : i32
      %dma_wait3A_42 = tpu.memref_slice %arg4[%add3A, %dma_wait3A_40, %dma_wait3A_41] : memref<32x25x400xi32, #tpu.memory_space<hbm>> -> memref<1x25x400xi32, #tpu.memory_space<hbm>>
      %dma_wait3A_43 = tpu.memref_squeeze %dma_wait3A_42 : memref<1x25x400xi32, #tpu.memory_space<hbm>> -> memref<25x400xi32, #tpu.memory_space<hbm>>
      tpu.wait_dma2 semaphore(%run_scoped3A_27 : memref<!tpu.dma_semaphore, #tpu.memory_space<semaphore_mem>>) src(%dma_wait3A_43 : memref<25x400xi32, #tpu.memory_space<hbm>>) dst(%arg7 : memref<25x400xi32, #tpu.memory_space<vmem>>)
      tpu.yield
    }) : () -> ()
    %mul3A_1 = arith.constant 640 : i32
    %mul3A_2 = arith.muli %arg1, %mul3A_1 : i32
    "tpu.region"() ({
      %run_scoped3A_27 = tpu.sem_alloc : memref<!tpu.dma_semaphore, #tpu.memory_space<semaphore_mem>>
      %dma_start3A_28 = arith.constant 0 : i32
      %dma_start3A_29 = tpu.memref_slice %arg2[%mul3A_2, %dma_start3A_28] : memref<10240x64xbf16, #tpu.memory_space<hbm>> -> memref<640x64xbf16, #tpu.memory_space<hbm>>
      %dma_start3A_30 = arith.constant 0 : i32
      %dma_start3A_31 = tpu.memref_slice %arg2[%mul3A_2, %dma_start3A_30] : memref<10240x64xbf16, #tpu.memory_space<hbm>> -> memref<640x64xbf16, #tpu.memory_space<hbm>>
      tpu.enqueue_dma source(%dma_start3A_31 : memref<640x64xbf16, #tpu.memory_space<hbm>>) target(%arg10 : memref<640x64xbf16, #tpu.memory_space<vmem>>) target_semaphore(%run_scoped3A_27 : memref<!tpu.dma_semaphore, #tpu.memory_space<semaphore_mem>>)
      %dma_wait3A_32 = arith.constant 0 : i32
      %dma_wait3A_33 = tpu.memref_slice %arg2[%mul3A_2, %dma_wait3A_32] : memref<10240x64xbf16, #tpu.memory_space<hbm>> -> memref<640x64xbf16, #tpu.memory_space<hbm>>
      %dma_wait3A_34 = arith.constant 0 : i32
      %dma_wait3A_35 = tpu.memref_slice %arg2[%mul3A_2, %dma_wait3A_34] : memref<10240x64xbf16, #tpu.memory_space<hbm>> -> memref<640x64xbf16, #tpu.memory_space<hbm>>
      tpu.wait_dma2 semaphore(%run_scoped3A_27 : memref<!tpu.dma_semaphore, #tpu.memory_space<semaphore_mem>>) src(%dma_wait3A_35 : memref<640x64xbf16, #tpu.memory_space<hbm>>) dst(%arg10 : memref<640x64xbf16, #tpu.memory_space<vmem>>)
      tpu.yield
    }) : () -> ()
    %mul3A_3 = arith.constant 640 : i32
    %mul3A_4 = arith.muli %arg1, %mul3A_3 : i32
    "tpu.region"() ({
      %run_scoped3A_27 = tpu.sem_alloc : memref<!tpu.dma_semaphore, #tpu.memory_space<semaphore_mem>>
      %dma_start3A_28 = arith.constant 0 : i32
      %dma_start3A_29 = tpu.memref_slice %arg11[%mul3A_4, %dma_start3A_28] : memref<10240x64xbf16, #tpu.memory_space<vmem_shared>> -> memref<640x64xbf16, #tpu.memory_space<vmem_shared>>
      %dma_start3A_30 = arith.constant 0 : i32
      %dma_start3A_31 = tpu.memref_slice %arg11[%mul3A_4, %dma_start3A_30] : memref<10240x64xbf16, #tpu.memory_space<vmem_shared>> -> memref<640x64xbf16, #tpu.memory_space<vmem_shared>>
      tpu.enqueue_dma source(%arg10 : memref<640x64xbf16, #tpu.memory_space<vmem>>) target(%dma_start3A_31 : memref<640x64xbf16, #tpu.memory_space<vmem_shared>>) target_semaphore(%run_scoped3A_27 : memref<!tpu.dma_semaphore, #tpu.memory_space<semaphore_mem>>)
      %dma_wait3A_32 = arith.constant 0 : i32
      %dma_wait3A_33 = tpu.memref_slice %arg11[%mul3A_4, %dma_wait3A_32] : memref<10240x64xbf16, #tpu.memory_space<vmem_shared>> -> memref<640x64xbf16, #tpu.memory_space<vmem_shared>>
      %dma_wait3A_34 = arith.constant 0 : i32
      %dma_wait3A_35 = tpu.memref_slice %arg11[%mul3A_4, %dma_wait3A_34] : memref<10240x64xbf16, #tpu.memory_space<vmem_shared>> -> memref<640x64xbf16, #tpu.memory_space<vmem_shared>>
      tpu.wait_dma2 semaphore(%run_scoped3A_27 : memref<!tpu.dma_semaphore, #tpu.memory_space<semaphore_mem>>) src(%arg10 : memref<640x64xbf16, #tpu.memory_space<vmem>>) dst(%dma_wait3A_35 : memref<640x64xbf16, #tpu.memory_space<vmem_shared>>)
      tpu.yield
    }) : () -> ()
    %barrier3A = arith.constant 0 : index
    tpu.barrier barrier_id(%barrier3A)
    %dma_start3A = arith.constant 0 : i32
    %dma_start3A_5 = arith.constant 0 : i32
    %dma_start3A_6 = tpu.memref_slice %arg6[%dma_start3A, %dma_start3A_5] : memref<25x400xi32, #tpu.memory_space<vmem>> -> memref<1x400xi32, #tpu.memory_space<vmem>>
    %dma_start3A_7 = tpu.memref_squeeze %dma_start3A_6 : memref<1x400xi32, #tpu.memory_space<vmem>> -> memref<400xi32, #tpu.memory_space<vmem>>
    %dma_start3A_8 = arith.constant 0 : i32
    %dma_start3A_9 = arith.constant 0 : i32
    %dma_start3A_10 = tpu.memref_slice %arg2[%dma_start3A_8, %dma_start3A_9] : memref<10240x64xbf16, #tpu.memory_space<hbm>> -> memref<10240x64xbf16, #tpu.memory_space<hbm>>
    tpu.enqueue_indirect_dma source(%dma_start3A_10 : memref<10240x64xbf16, #tpu.memory_space<hbm>>) target(%arg8 : memref<400x64xbf16, #tpu.memory_space<vmem>>) offsets(%dma_start3A_7 : memref<400xi32, #tpu.memory_space<vmem>>) semaphore(%arg12 : memref<!tpu.dma_semaphore, #tpu.memory_space<semaphore_mem>>)
    %scan3A = arith.constant 0 : i32
    %scan3A_11 = arith.constant 0 : i32
    %scan3A_12 = arith.constant 12 : i32
    %scan3A_13 = arith.addi %scan3A_11, %scan3A_12 : i32
    %scan3A_14 = arith.constant 1 : i32
    scf.for %scan3A_27 = %scan3A_11 to %scan3A_13 step %scan3A_14  : i32 {
      %mul3A_28 = arith.constant 2 : i32
      %mul3A_29 = arith.muli %mul3A_28, %scan3A_27 : i32
      %add3A_30 = arith.constant 1 : i32
      %add3A_31 = arith.addi %mul3A_29, %add3A_30 : i32
      %dma_start3A_32 = arith.constant 0 : i32
      %dma_start3A_33 = tpu.memref_slice %arg6[%add3A_31, %dma_start3A_32] : memref<25x400xi32, #tpu.memory_space<vmem>> -> memref<1x400xi32, #tpu.memory_space<vmem>>
      %dma_start3A_34 = tpu.memref_squeeze %dma_start3A_33 : memref<1x400xi32, #tpu.memory_space<vmem>> -> memref<400xi32, #tpu.memory_space<vmem>>
      %dma_start3A_35 = arith.constant 0 : i32
      %dma_start3A_36 = arith.constant 0 : i32
      %dma_start3A_37 = tpu.memref_slice %arg2[%dma_start3A_35, %dma_start3A_36] : memref<10240x64xbf16, #tpu.memory_space<hbm>> -> memref<10240x64xbf16, #tpu.memory_space<hbm>>
      tpu.enqueue_indirect_dma source(%dma_start3A_37 : memref<10240x64xbf16, #tpu.memory_space<hbm>>) target(%arg9 : memref<400x64xbf16, #tpu.memory_space<vmem>>) offsets(%dma_start3A_34 : memref<400xi32, #tpu.memory_space<vmem>>) semaphore(%arg13 : memref<!tpu.dma_semaphore, #tpu.memory_space<semaphore_mem>>)
      %dma_wait3A_38 = arith.constant 0 : i32
      %dma_wait3A_39 = arith.constant 0 : i32
      %dma_wait3A_40 = tpu.memref_slice %arg6[%dma_wait3A_38, %dma_wait3A_39] : memref<25x400xi32, #tpu.memory_space<vmem>> -> memref<1x400xi32, #tpu.memory_space<vmem>>
      %dma_wait3A_41 = tpu.memref_squeeze %dma_wait3A_40 : memref<1x400xi32, #tpu.memory_space<vmem>> -> memref<400xi32, #tpu.memory_space<vmem>>
      %dma_wait3A_42 = arith.constant 0 : i32
      %dma_wait3A_43 = arith.constant 0 : i32
      %dma_wait3A_44 = tpu.memref_slice %arg2[%dma_wait3A_42, %dma_wait3A_43] : memref<10240x64xbf16, #tpu.memory_space<hbm>> -> memref<10240x64xbf16, #tpu.memory_space<hbm>>
      tpu.wait_indirect_dma semaphore(%arg12 : memref<!tpu.dma_semaphore, #tpu.memory_space<semaphore_mem>>) src(%dma_wait3A_44 : memref<10240x64xbf16, #tpu.memory_space<hbm>>) dst(%arg8 : memref<400x64xbf16, #tpu.memory_space<vmem>>)
      "tpu.region"() ({
        %run_scoped3A_62 = tpu.sem_alloc : memref<!tpu.dma_semaphore, #tpu.memory_space<semaphore_mem>>
        %dma_start3A_63 = arith.constant 0 : i32
        %dma_start3A_64 = tpu.memref_slice %arg7[%mul3A_29, %dma_start3A_63] : memref<25x400xi32, #tpu.memory_space<vmem>> -> memref<1x400xi32, #tpu.memory_space<vmem>>
        %dma_start3A_65 = tpu.memref_squeeze %dma_start3A_64 : memref<1x400xi32, #tpu.memory_space<vmem>> -> memref<400xi32, #tpu.memory_space<vmem>>
        %dma_start3A_66 = arith.constant 0 : i32
        %dma_start3A_67 = arith.constant 0 : i32
        %dma_start3A_68 = tpu.memref_slice %arg11[%dma_start3A_66, %dma_start3A_67] : memref<10240x64xbf16, #tpu.memory_space<vmem_shared>> -> memref<10240x64xbf16, #tpu.memory_space<vmem_shared>>
        tpu.enqueue_indirect_dma source(%arg8 : memref<400x64xbf16, #tpu.memory_space<vmem>>) target(%dma_start3A_68 : memref<10240x64xbf16, #tpu.memory_space<vmem_shared>>) offsets(%dma_start3A_65 : memref<400xi32, #tpu.memory_space<vmem>>) semaphore(%run_scoped3A_62 : memref<!tpu.dma_semaphore, #tpu.memory_space<semaphore_mem>>) {add = true}
        %dma_wait3A_69 = arith.constant 0 : i32
        %dma_wait3A_70 = tpu.memref_slice %arg7[%mul3A_29, %dma_wait3A_69] : memref<25x400xi32, #tpu.memory_space<vmem>> -> memref<1x400xi32, #tpu.memory_space<vmem>>
        %dma_wait3A_71 = tpu.memref_squeeze %dma_wait3A_70 : memref<1x400xi32, #tpu.memory_space<vmem>> -> memref<400xi32, #tpu.memory_space<vmem>>
        %dma_wait3A_72 = arith.constant 0 : i32
        %dma_wait3A_73 = arith.constant 0 : i32
        %dma_wait3A_74 = tpu.memref_slice %arg11[%dma_wait3A_72, %dma_wait3A_73] : memref<10240x64xbf16, #tpu.memory_space<vmem_shared>> -> memref<10240x64xbf16, #tpu.memory_space<vmem_shared>>
        tpu.wait_indirect_dma semaphore(%run_scoped3A_62 : memref<!tpu.dma_semaphore, #tpu.memory_space<semaphore_mem>>) src(%arg8 : memref<400x64xbf16, #tpu.memory_space<vmem>>) dst(%dma_wait3A_74 : memref<10240x64xbf16, #tpu.memory_space<vmem_shared>>)
        tpu.yield
      }) : () -> ()
      %add3A_45 = arith.constant 2 : i32
      %add3A_46 = arith.addi %mul3A_29, %add3A_45 : i32
      %dma_start3A_47 = arith.constant 0 : i32
      %dma_start3A_48 = tpu.memref_slice %arg6[%add3A_46, %dma_start3A_47] : memref<25x400xi32, #tpu.memory_space<vmem>> -> memref<1x400xi32, #tpu.memory_space<vmem>>
      %dma_start3A_49 = tpu.memref_squeeze %dma_start3A_48 : memref<1x400xi32, #tpu.memory_space<vmem>> -> memref<400xi32, #tpu.memory_space<vmem>>
      %dma_start3A_50 = arith.constant 0 : i32
      %dma_start3A_51 = arith.constant 0 : i32
      %dma_start3A_52 = tpu.memref_slice %arg2[%dma_start3A_50, %dma_start3A_51] : memref<10240x64xbf16, #tpu.memory_space<hbm>> -> memref<10240x64xbf16, #tpu.memory_space<hbm>>
      tpu.enqueue_indirect_dma source(%dma_start3A_52 : memref<10240x64xbf16, #tpu.memory_space<hbm>>) target(%arg8 : memref<400x64xbf16, #tpu.memory_space<vmem>>) offsets(%dma_start3A_49 : memref<400xi32, #tpu.memory_space<vmem>>) semaphore(%arg12 : memref<!tpu.dma_semaphore, #tpu.memory_space<semaphore_mem>>)
      %dma_wait3A_53 = arith.constant 0 : i32
      %dma_wait3A_54 = arith.constant 0 : i32
      %dma_wait3A_55 = tpu.memref_slice %arg6[%dma_wait3A_53, %dma_wait3A_54] : memref<25x400xi32, #tpu.memory_space<vmem>> -> memref<1x400xi32, #tpu.memory_space<vmem>>
      %dma_wait3A_56 = tpu.memref_squeeze %dma_wait3A_55 : memref<1x400xi32, #tpu.memory_space<vmem>> -> memref<400xi32, #tpu.memory_space<vmem>>
      %dma_wait3A_57 = arith.constant 0 : i32
      %dma_wait3A_58 = arith.constant 0 : i32
      %dma_wait3A_59 = tpu.memref_slice %arg2[%dma_wait3A_57, %dma_wait3A_58] : memref<10240x64xbf16, #tpu.memory_space<hbm>> -> memref<10240x64xbf16, #tpu.memory_space<hbm>>
      tpu.wait_indirect_dma semaphore(%arg13 : memref<!tpu.dma_semaphore, #tpu.memory_space<semaphore_mem>>) src(%dma_wait3A_59 : memref<10240x64xbf16, #tpu.memory_space<hbm>>) dst(%arg9 : memref<400x64xbf16, #tpu.memory_space<vmem>>)
      %add3A_60 = arith.constant 1 : i32
      %add3A_61 = arith.addi %mul3A_29, %add3A_60 : i32
      "tpu.region"() ({
        %run_scoped3A_62 = tpu.sem_alloc : memref<!tpu.dma_semaphore, #tpu.memory_space<semaphore_mem>>
        %dma_start3A_63 = arith.constant 0 : i32
        %dma_start3A_64 = tpu.memref_slice %arg7[%add3A_61, %dma_start3A_63] : memref<25x400xi32, #tpu.memory_space<vmem>> -> memref<1x400xi32, #tpu.memory_space<vmem>>
        %dma_start3A_65 = tpu.memref_squeeze %dma_start3A_64 : memref<1x400xi32, #tpu.memory_space<vmem>> -> memref<400xi32, #tpu.memory_space<vmem>>
        %dma_start3A_66 = arith.constant 0 : i32
        %dma_start3A_67 = arith.constant 0 : i32
        %dma_start3A_68 = tpu.memref_slice %arg11[%dma_start3A_66, %dma_start3A_67] : memref<10240x64xbf16, #tpu.memory_space<vmem_shared>> -> memref<10240x64xbf16, #tpu.memory_space<vmem_shared>>
        tpu.enqueue_indirect_dma source(%arg9 : memref<400x64xbf16, #tpu.memory_space<vmem>>) target(%dma_start3A_68 : memref<10240x64xbf16, #tpu.memory_space<vmem_shared>>) offsets(%dma_start3A_65 : memref<400xi32, #tpu.memory_space<vmem>>) semaphore(%run_scoped3A_62 : memref<!tpu.dma_semaphore, #tpu.memory_space<semaphore_mem>>) {add = true}
        %dma_wait3A_69 = arith.constant 0 : i32
        %dma_wait3A_70 = tpu.memref_slice %arg7[%add3A_61, %dma_wait3A_69] : memref<25x400xi32, #tpu.memory_space<vmem>> -> memref<1x400xi32, #tpu.memory_space<vmem>>
        %dma_wait3A_71 = tpu.memref_squeeze %dma_wait3A_70 : memref<1x400xi32, #tpu.memory_space<vmem>> -> memref<400xi32, #tpu.memory_space<vmem>>
        %dma_wait3A_72 = arith.constant 0 : i32
        %dma_wait3A_73 = arith.constant 0 : i32
        %dma_wait3A_74 = tpu.memref_slice %arg11[%dma_wait3A_72, %dma_wait3A_73] : memref<10240x64xbf16, #tpu.memory_space<vmem_shared>> -> memref<10240x64xbf16, #tpu.memory_space<vmem_shared>>
        tpu.wait_indirect_dma semaphore(%run_scoped3A_62 : memref<!tpu.dma_semaphore, #tpu.memory_space<semaphore_mem>>) src(%arg9 : memref<400x64xbf16, #tpu.memory_space<vmem>>) dst(%dma_wait3A_74 : memref<10240x64xbf16, #tpu.memory_space<vmem_shared>>)
        tpu.yield
      }) : () -> ()
    }
    %scan3A_15 = arith.constant 12 : i32
    %dma_wait3A = arith.constant 0 : i32
    %dma_wait3A_16 = arith.constant 0 : i32
    %dma_wait3A_17 = tpu.memref_slice %arg6[%dma_wait3A, %dma_wait3A_16] : memref<25x400xi32, #tpu.memory_space<vmem>> -> memref<1x400xi32, #tpu.memory_space<vmem>>
    %dma_wait3A_18 = tpu.memref_squeeze %dma_wait3A_17 : memref<1x400xi32, #tpu.memory_space<vmem>> -> memref<400xi32, #tpu.memory_space<vmem>>
    %dma_wait3A_19 = arith.constant 0 : i32
    %dma_wait3A_20 = arith.constant 0 : i32
    %dma_wait3A_21 = tpu.memref_slice %arg2[%dma_wait3A_19, %dma_wait3A_20] : memref<10240x64xbf16, #tpu.memory_space<hbm>> -> memref<10240x64xbf16, #tpu.memory_space<hbm>>
    tpu.wait_indirect_dma semaphore(%arg12 : memref<!tpu.dma_semaphore, #tpu.memory_space<semaphore_mem>>) src(%dma_wait3A_21 : memref<10240x64xbf16, #tpu.memory_space<hbm>>) dst(%arg8 : memref<400x64xbf16, #tpu.memory_space<vmem>>)
    %run_scoped3A = arith.constant 24 : i32
    "tpu.region"() ({
      %run_scoped3A_27 = tpu.sem_alloc : memref<!tpu.dma_semaphore, #tpu.memory_space<semaphore_mem>>
      %dma_start3A_28 = arith.constant 0 : i32
      %dma_start3A_29 = tpu.memref_slice %arg7[%run_scoped3A, %dma_start3A_28] : memref<25x400xi32, #tpu.memory_space<vmem>> -> memref<1x400xi32, #tpu.memory_space<vmem>>
      %dma_start3A_30 = tpu.memref_squeeze %dma_start3A_29 : memref<1x400xi32, #tpu.memory_space<vmem>> -> memref<400xi32, #tpu.memory_space<vmem>>
      %dma_start3A_31 = arith.constant 0 : i32
      %dma_start3A_32 = arith.constant 0 : i32
      %dma_start3A_33 = tpu.memref_slice %arg11[%dma_start3A_31, %dma_start3A_32] : memref<10240x64xbf16, #tpu.memory_space<vmem_shared>> -> memref<10240x64xbf16, #tpu.memory_space<vmem_shared>>
      tpu.enqueue_indirect_dma source(%arg8 : memref<400x64xbf16, #tpu.memory_space<vmem>>) target(%dma_start3A_33 : memref<10240x64xbf16, #tpu.memory_space<vmem_shared>>) offsets(%dma_start3A_30 : memref<400xi32, #tpu.memory_space<vmem>>) semaphore(%run_scoped3A_27 : memref<!tpu.dma_semaphore, #tpu.memory_space<semaphore_mem>>) {add = true}
      %dma_wait3A_34 = arith.constant 0 : i32
      %dma_wait3A_35 = tpu.memref_slice %arg7[%run_scoped3A, %dma_wait3A_34] : memref<25x400xi32, #tpu.memory_space<vmem>> -> memref<1x400xi32, #tpu.memory_space<vmem>>
      %dma_wait3A_36 = tpu.memref_squeeze %dma_wait3A_35 : memref<1x400xi32, #tpu.memory_space<vmem>> -> memref<400xi32, #tpu.memory_space<vmem>>
      %dma_wait3A_37 = arith.constant 0 : i32
      %dma_wait3A_38 = arith.constant 0 : i32
      %dma_wait3A_39 = tpu.memref_slice %arg11[%dma_wait3A_37, %dma_wait3A_38] : memref<10240x64xbf16, #tpu.memory_space<vmem_shared>> -> memref<10240x64xbf16, #tpu.memory_space<vmem_shared>>
      tpu.wait_indirect_dma semaphore(%run_scoped3A_27 : memref<!tpu.dma_semaphore, #tpu.memory_space<semaphore_mem>>) src(%arg8 : memref<400x64xbf16, #tpu.memory_space<vmem>>) dst(%dma_wait3A_39 : memref<10240x64xbf16, #tpu.memory_space<vmem_shared>>)
      tpu.yield
    }) : () -> ()
    %barrier3A_22 = arith.constant 0 : index
    tpu.barrier barrier_id(%barrier3A_22)
    %mul3A_23 = arith.constant 640 : i32
    %mul3A_24 = arith.muli %arg1, %mul3A_23 : i32
    "tpu.region"() ({
      %run_scoped3A_27 = tpu.sem_alloc : memref<!tpu.dma_semaphore, #tpu.memory_space<semaphore_mem>>
      %dma_start3A_28 = arith.constant 0 : i32
      %dma_start3A_29 = tpu.memref_slice %arg11[%mul3A_24, %dma_start3A_28] : memref<10240x64xbf16, #tpu.memory_space<vmem_shared>> -> memref<640x64xbf16, #tpu.memory_space<vmem_shared>>
      %dma_start3A_30 = arith.constant 0 : i32
      %dma_start3A_31 = tpu.memref_slice %arg11[%mul3A_24, %dma_start3A_30] : memref<10240x64xbf16, #tpu.memory_space<vmem_shared>> -> memref<640x64xbf16, #tpu.memory_space<vmem_shared>>
      tpu.enqueue_dma source(%dma_start3A_31 : memref<640x64xbf16, #tpu.memory_space<vmem_shared>>) target(%arg10 : memref<640x64xbf16, #tpu.memory_space<vmem>>) target_semaphore(%run_scoped3A_27 : memref<!tpu.dma_semaphore, #tpu.memory_space<semaphore_mem>>)
      %dma_wait3A_32 = arith.constant 0 : i32
      %dma_wait3A_33 = tpu.memref_slice %arg11[%mul3A_24, %dma_wait3A_32] : memref<10240x64xbf16, #tpu.memory_space<vmem_shared>> -> memref<640x64xbf16, #tpu.memory_space<vmem_shared>>
      %dma_wait3A_34 = arith.constant 0 : i32
      %dma_wait3A_35 = tpu.memref_slice %arg11[%mul3A_24, %dma_wait3A_34] : memref<10240x64xbf16, #tpu.memory_space<vmem_shared>> -> memref<640x64xbf16, #tpu.memory_space<vmem_shared>>
      tpu.wait_dma2 semaphore(%run_scoped3A_27 : memref<!tpu.dma_semaphore, #tpu.memory_space<semaphore_mem>>) src(%dma_wait3A_35 : memref<640x64xbf16, #tpu.memory_space<vmem_shared>>) dst(%arg10 : memref<640x64xbf16, #tpu.memory_space<vmem>>)
      tpu.yield
    }) : () -> ()
    %mul3A_25 = arith.constant 640 : i32
    %mul3A_26 = arith.muli %arg1, %mul3A_25 : i32
    "tpu.region"() ({
      %run_scoped3A_27 = tpu.sem_alloc : memref<!tpu.dma_semaphore, #tpu.memory_space<semaphore_mem>>
      %dma_start3A_28 = arith.constant 0 : i32
      %dma_start3A_29 = arith.constant 0 : i32
      %dma_start3A_30 = tpu.memref_slice %arg5[%arg0, %dma_start3A_28, %dma_start3A_29] : memref<2x10240x64xbf16, #tpu.memory_space<hbm>> -> memref<1x10240x64xbf16, #tpu.memory_space<hbm>>
      %dma_start3A_31 = tpu.memref_squeeze %dma_start3A_30 : memref<1x10240x64xbf16, #tpu.memory_space<hbm>> -> memref<10240x64xbf16, #tpu.memory_space<hbm>>
      %dma_start3A_32 = arith.constant 0 : i32
      %dma_start3A_33 = tpu.memref_slice %dma_start3A_31[%mul3A_26, %dma_start3A_32] : memref<10240x64xbf16, #tpu.memory_space<hbm>> -> memref<640x64xbf16, #tpu.memory_space<hbm>>
      %dma_start3A_34 = arith.constant 0 : i32
      %dma_start3A_35 = arith.constant 0 : i32
      %dma_start3A_36 = tpu.memref_slice %arg5[%arg0, %dma_start3A_34, %dma_start3A_35] : memref<2x10240x64xbf16, #tpu.memory_space<hbm>> -> memref<1x10240x64xbf16, #tpu.memory_space<hbm>>
      %dma_start3A_37 = tpu.memref_squeeze %dma_start3A_36 : memref<1x10240x64xbf16, #tpu.memory_space<hbm>> -> memref<10240x64xbf16, #tpu.memory_space<hbm>>
      %dma_start3A_38 = arith.constant 0 : i32
      %dma_start3A_39 = tpu.memref_slice %dma_start3A_37[%mul3A_26, %dma_start3A_38] : memref<10240x64xbf16, #tpu.memory_space<hbm>> -> memref<640x64xbf16, #tpu.memory_space<hbm>>
      tpu.enqueue_dma source(%arg10 : memref<640x64xbf16, #tpu.memory_space<vmem>>) target(%dma_start3A_39 : memref<640x64xbf16, #tpu.memory_space<hbm>>) target_semaphore(%run_scoped3A_27 : memref<!tpu.dma_semaphore, #tpu.memory_space<semaphore_mem>>)
      %dma_wait3A_40 = arith.constant 0 : i32
      %dma_wait3A_41 = arith.constant 0 : i32
      %dma_wait3A_42 = tpu.memref_slice %arg5[%arg0, %dma_wait3A_40, %dma_wait3A_41] : memref<2x10240x64xbf16, #tpu.memory_space<hbm>> -> memref<1x10240x64xbf16, #tpu.memory_space<hbm>>
      %dma_wait3A_43 = tpu.memref_squeeze %dma_wait3A_42 : memref<1x10240x64xbf16, #tpu.memory_space<hbm>> -> memref<10240x64xbf16, #tpu.memory_space<hbm>>
      %dma_wait3A_44 = arith.constant 0 : i32
      %dma_wait3A_45 = tpu.memref_slice %dma_wait3A_43[%mul3A_26, %dma_wait3A_44] : memref<10240x64xbf16, #tpu.memory_space<hbm>> -> memref<640x64xbf16, #tpu.memory_space<hbm>>
      %dma_wait3A_46 = arith.constant 0 : i32
      %dma_wait3A_47 = arith.constant 0 : i32
      %dma_wait3A_48 = tpu.memref_slice %arg5[%arg0, %dma_wait3A_46, %dma_wait3A_47] : memref<2x10240x64xbf16, #tpu.memory_space<hbm>> -> memref<1x10240x64xbf16, #tpu.memory_space<hbm>>
      %dma_wait3A_49 = tpu.memref_squeeze %dma_wait3A_48 : memref<1x10240x64xbf16, #tpu.memory_space<hbm>> -> memref<10240x64xbf16, #tpu.memory_space<hbm>>
      %dma_wait3A_50 = arith.constant 0 : i32
      %dma_wait3A_51 = tpu.memref_slice %dma_wait3A_49[%mul3A_26, %dma_wait3A_50] : memref<10240x64xbf16, #tpu.memory_space<hbm>> -> memref<640x64xbf16, #tpu.memory_space<hbm>>
      tpu.wait_dma2 semaphore(%run_scoped3A_27 : memref<!tpu.dma_semaphore, #tpu.memory_space<semaphore_mem>>) src(%arg10 : memref<640x64xbf16, #tpu.memory_space<vmem>>) dst(%dma_wait3A_51 : memref<640x64xbf16, #tpu.memory_space<hbm>>)
      tpu.yield
    }) : () -> ()
    return
  }
}

#map = affine_map<(d0, d1) -> (0, 0)>
#map1 = affine_map<(d0, d1) -> (0, 0, 0)>
module attributes {stable_mosaic.version = 14 : i64} {
  func.func @_scatter_body(%arg0: i32, %arg1: i32, %arg2: memref<10240x64xbf16, #tpu.memory_space<hbm>>, %arg3: memref<32x25x400xi32, #tpu.memory_space<hbm>>, %arg4: memref<32x25x400xi32, #tpu.memory_space<hbm>>, %arg5: memref<2x10240x64xbf16, #tpu.memory_space<hbm>>, %arg6: memref<25x400xi32, #tpu.memory_space<vmem>>, %arg7: memref<25x400xi32, #tpu.memory_space<vmem>>, %arg8: memref<400x64xbf16, #tpu.memory_space<vmem>>, %arg9: memref<400x64xbf16, #tpu.memory_space<vmem>>, %arg10: memref<640x64xbf16, #tpu.memory_space<vmem>>, %arg11: memref<10240x64xbf16, #tpu.memory_space<vmem_shared>>, %arg12: memref<!tpu.dma_semaphore, #tpu.memory_space<semaphore_mem>>, %arg13: memref<!tpu.dma_semaphore, #tpu.memory_space<semaphore_mem>>, %arg14: memref<!tpu.dma_semaphore, #tpu.memory_space<semaphore_mem>>, %arg15: memref<!tpu.dma_semaphore, #tpu.memory_space<semaphore_mem>>) attributes {dimension_semantics = [#tpu.dimension_semantics<core_parallel>, #tpu.dimension_semantics<subcore_parallel>], iteration_bounds = array<i64: 2, 16>, scalar_prefetch = 0 : i64, scratch_operands = 10 : i64, tpu.core_type = #tpu.core_type<sc_vector_subcore>, window_params = [{transform_indices = #map}, {transform_indices = #map1}, {transform_indices = #map1}, {transform_indices = #map1}]} {
    %mul3A = arith.constant 2 : i32
    %mul3A_0 = arith.muli %arg1, %mul3A : i32
    %add3A = arith.addi %mul3A_0, %arg0 : i32
    "tpu.region"() ({
      %run_scoped3A_27 = tpu.sem_alloc : memref<!tpu.dma_semaphore, #tpu.memory_space<semaphore_mem>>
      %dma_start3A_28 = arith.constant 0 : i32
      %dma_start3A_29 = arith.constant 0 : i32
      %dma_start3A_30 = tpu.memref_slice %arg3[%add3A, %dma_start3A_28, %dma_start3A_29] : memref<32x25x400xi32, #tpu.memory_space<hbm>> -> memref<1x25x400xi32, #tpu.memory_space<hbm>>
      %dma_start3A_31 = tpu.memref_squeeze %dma_start3A_30 : memref<1x25x400xi32, #tpu.memory_space<hbm>> -> memref<25x400xi32, #tpu.memory_space<hbm>>
      %dma_start3A_32 = arith.constant 0 : i32
      %dma_start3A_33 = arith.constant 0 : i32
      %dma_start3A_34 = tpu.memref_slice %arg3[%add3A, %dma_start3A_32, %dma_start3A_33] : memref<32x25x400xi32, #tpu.memory_space<hbm>> -> memref<1x25x400xi32, #tpu.memory_space<hbm>>
      %dma_start3A_35 = tpu.memref_squeeze %dma_start3A_34 : memref<1x25x400xi32, #tpu.memory_space<hbm>> -> memref<25x400xi32, #tpu.memory_space<hbm>>
      tpu.enqueue_dma source(%dma_start3A_35 : memref<25x400xi32, #tpu.memory_space<hbm>>) target(%arg6 : memref<25x400xi32, #tpu.memory_space<vmem>>) target_semaphore(%run_scoped3A_27 : memref<!tpu.dma_semaphore, #tpu.memory_space<semaphore_mem>>)
      %dma_wait3A_36 = arith.constant 0 : i32
      %dma_wait3A_37 = arith.constant 0 : i32
      %dma_wait3A_38 = tpu.memref_slice %arg3[%add3A, %dma_wait3A_36, %dma_wait3A_37] : memref<32x25x400xi32, #tpu.memory_space<hbm>> -> memref<1x25x400xi32, #tpu.memory_space<hbm>>
      %dma_wait3A_39 = tpu.memref_squeeze %dma_wait3A_38 : memref<1x25x400xi32, #tpu.memory_space<hbm>> -> memref<25x400xi32, #tpu.memory_space<hbm>>
      %dma_wait3A_40 = arith.constant 0 : i32
      %dma_wait3A_41 = arith.constant 0 : i32
      %dma_wait3A_42 = tpu.memref_slice %arg3[%add3A, %dma_wait3A_40, %dma_wait3A_41] : memref<32x25x400xi32, #tpu.memory_space<hbm>> -> memref<1x25x400xi32, #tpu.memory_space<hbm>>
      %dma_wait3A_43 = tpu.memref_squeeze %dma_wait3A_42 : memref<1x25x400xi32, #tpu.memory_space<hbm>> -> memref<25x400xi32, #tpu.memory_space<hbm>>
      tpu.wait_dma2 semaphore(%run_scoped3A_27 : memref<!tpu.dma_semaphore, #tpu.memory_space<semaphore_mem>>) src(%dma_wait3A_43 : memref<25x400xi32, #tpu.memory_space<hbm>>) dst(%arg6 : memref<25x400xi32, #tpu.memory_space<vmem>>)
      tpu.yield
    }) : () -> ()
    "tpu.region"() ({
      %run_scoped3A_27 = tpu.sem_alloc : memref<!tpu.dma_semaphore, #tpu.memory_space<semaphore_mem>>
      %dma_start3A_28 = arith.constant 0 : i32
      %dma_start3A_29 = arith.constant 0 : i32
      %dma_start3A_30 = tpu.memref_slice %arg4[%add3A, %dma_start3A_28, %dma_start3A_29] : memref<32x25x400xi32, #tpu.memory_space<hbm>> -> memref<1x25x400xi32, #tpu.memory_space<hbm>>
      %dma_start3A_31 = tpu.memref_squeeze %dma_start3A_30 : memref<1x25x400xi32, #tpu.memory_space<hbm>> -> memref<25x400xi32, #tpu.memory_space<hbm>>
      %dma_start3A_32 = arith.constant 0 : i32
      %dma_start3A_33 = arith.constant 0 : i32
      %dma_start3A_34 = tpu.memref_slice %arg4[%add3A, %dma_start3A_32, %dma_start3A_33] : memref<32x25x400xi32, #tpu.memory_space<hbm>> -> memref<1x25x400xi32, #tpu.memory_space<hbm>>
      %dma_start3A_35 = tpu.memref_squeeze %dma_start3A_34 : memref<1x25x400xi32, #tpu.memory_space<hbm>> -> memref<25x400xi32, #tpu.memory_space<hbm>>
      tpu.enqueue_dma source(%dma_start3A_35 : memref<25x400xi32, #tpu.memory_space<hbm>>) target(%arg7 : memref<25x400xi32, #tpu.memory_space<vmem>>) target_semaphore(%run_scoped3A_27 : memref<!tpu.dma_semaphore, #tpu.memory_space<semaphore_mem>>)
      %dma_wait3A_36 = arith.constant 0 : i32
      %dma_wait3A_37 = arith.constant 0 : i32
      %dma_wait3A_38 = tpu.memref_slice %arg4[%add3A, %dma_wait3A_36, %dma_wait3A_37] : memref<32x25x400xi32, #tpu.memory_space<hbm>> -> memref<1x25x400xi32, #tpu.memory_space<hbm>>
      %dma_wait3A_39 = tpu.memref_squeeze %dma_wait3A_38 : memref<1x25x400xi32, #tpu.memory_space<hbm>> -> memref<25x400xi32, #tpu.memory_space<hbm>>
      %dma_wait3A_40 = arith.constant 0 : i32
      %dma_wait3A_41 = arith.constant 0 : i32
      %dma_wait3A_42 = tpu.memref_slice %arg4[%add3A, %dma_wait3A_40, %dma_wait3A_41] : memref<32x25x400xi32, #tpu.memory_space<hbm>> -> memref<1x25x400xi32, #tpu.memory_space<hbm>>
      %dma_wait3A_43 = tpu.memref_squeeze %dma_wait3A_42 : memref<1x25x400xi32, #tpu.memory_space<hbm>> -> memref<25x400xi32, #tpu.memory_space<hbm>>
      tpu.wait_dma2 semaphore(%run_scoped3A_27 : memref<!tpu.dma_semaphore, #tpu.memory_space<semaphore_mem>>) src(%dma_wait3A_43 : memref<25x400xi32, #tpu.memory_space<hbm>>) dst(%arg7 : memref<25x400xi32, #tpu.memory_space<vmem>>)
      tpu.yield
    }) : () -> ()
    %mul3A_1 = arith.constant 640 : i32
    %mul3A_2 = arith.muli %arg1, %mul3A_1 : i32
    "tpu.region"() ({
      %run_scoped3A_27 = tpu.sem_alloc : memref<!tpu.dma_semaphore, #tpu.memory_space<semaphore_mem>>
      %dma_start3A_28 = arith.constant 0 : i32
      %dma_start3A_29 = tpu.memref_slice %arg2[%mul3A_2, %dma_start3A_28] : memref<10240x64xbf16, #tpu.memory_space<hbm>> -> memref<640x64xbf16, #tpu.memory_space<hbm>>
      %dma_start3A_30 = arith.constant 0 : i32
      %dma_start3A_31 = tpu.memref_slice %arg2[%mul3A_2, %dma_start3A_30] : memref<10240x64xbf16, #tpu.memory_space<hbm>> -> memref<640x64xbf16, #tpu.memory_space<hbm>>
      tpu.enqueue_dma source(%dma_start3A_31 : memref<640x64xbf16, #tpu.memory_space<hbm>>) target(%arg10 : memref<640x64xbf16, #tpu.memory_space<vmem>>) target_semaphore(%run_scoped3A_27 : memref<!tpu.dma_semaphore, #tpu.memory_space<semaphore_mem>>)
      %dma_wait3A_32 = arith.constant 0 : i32
      %dma_wait3A_33 = tpu.memref_slice %arg2[%mul3A_2, %dma_wait3A_32] : memref<10240x64xbf16, #tpu.memory_space<hbm>> -> memref<640x64xbf16, #tpu.memory_space<hbm>>
      %dma_wait3A_34 = arith.constant 0 : i32
      %dma_wait3A_35 = tpu.memref_slice %arg2[%mul3A_2, %dma_wait3A_34] : memref<10240x64xbf16, #tpu.memory_space<hbm>> -> memref<640x64xbf16, #tpu.memory_space<hbm>>
      tpu.wait_dma2 semaphore(%run_scoped3A_27 : memref<!tpu.dma_semaphore, #tpu.memory_space<semaphore_mem>>) src(%dma_wait3A_35 : memref<640x64xbf16, #tpu.memory_space<hbm>>) dst(%arg10 : memref<640x64xbf16, #tpu.memory_space<vmem>>)
      tpu.yield
    }) : () -> ()
    %mul3A_3 = arith.constant 640 : i32
    %mul3A_4 = arith.muli %arg1, %mul3A_3 : i32
    "tpu.region"() ({
      %run_scoped3A_27 = tpu.sem_alloc : memref<!tpu.dma_semaphore, #tpu.memory_space<semaphore_mem>>
      %dma_start3A_28 = arith.constant 0 : i32
      %dma_start3A_29 = tpu.memref_slice %arg11[%mul3A_4, %dma_start3A_28] : memref<10240x64xbf16, #tpu.memory_space<vmem_shared>> -> memref<640x64xbf16, #tpu.memory_space<vmem_shared>>
      %dma_start3A_30 = arith.constant 0 : i32
      %dma_start3A_31 = tpu.memref_slice %arg11[%mul3A_4, %dma_start3A_30] : memref<10240x64xbf16, #tpu.memory_space<vmem_shared>> -> memref<640x64xbf16, #tpu.memory_space<vmem_shared>>
      tpu.enqueue_dma source(%arg10 : memref<640x64xbf16, #tpu.memory_space<vmem>>) target(%dma_start3A_31 : memref<640x64xbf16, #tpu.memory_space<vmem_shared>>) target_semaphore(%run_scoped3A_27 : memref<!tpu.dma_semaphore, #tpu.memory_space<semaphore_mem>>)
      %dma_wait3A_32 = arith.constant 0 : i32
      %dma_wait3A_33 = tpu.memref_slice %arg11[%mul3A_4, %dma_wait3A_32] : memref<10240x64xbf16, #tpu.memory_space<vmem_shared>> -> memref<640x64xbf16, #tpu.memory_space<vmem_shared>>
      %dma_wait3A_34 = arith.constant 0 : i32
      %dma_wait3A_35 = tpu.memref_slice %arg11[%mul3A_4, %dma_wait3A_34] : memref<10240x64xbf16, #tpu.memory_space<vmem_shared>> -> memref<640x64xbf16, #tpu.memory_space<vmem_shared>>
      tpu.wait_dma2 semaphore(%run_scoped3A_27 : memref<!tpu.dma_semaphore, #tpu.memory_space<semaphore_mem>>) src(%arg10 : memref<640x64xbf16, #tpu.memory_space<vmem>>) dst(%dma_wait3A_35 : memref<640x64xbf16, #tpu.memory_space<vmem_shared>>)
      tpu.yield
    }) : () -> ()
    %barrier3A = arith.constant 0 : index
    tpu.barrier barrier_id(%barrier3A)
    %dma_start3A = arith.constant 0 : i32
    %dma_start3A_5 = arith.constant 0 : i32
    %dma_start3A_6 = tpu.memref_slice %arg6[%dma_start3A, %dma_start3A_5] : memref<25x400xi32, #tpu.memory_space<vmem>> -> memref<1x400xi32, #tpu.memory_space<vmem>>
    %dma_start3A_7 = tpu.memref_squeeze %dma_start3A_6 : memref<1x400xi32, #tpu.memory_space<vmem>> -> memref<400xi32, #tpu.memory_space<vmem>>
    %dma_start3A_8 = arith.constant 0 : i32
    %dma_start3A_9 = arith.constant 0 : i32
    %dma_start3A_10 = tpu.memref_slice %arg2[%dma_start3A_8, %dma_start3A_9] : memref<10240x64xbf16, #tpu.memory_space<hbm>> -> memref<10240x64xbf16, #tpu.memory_space<hbm>>
    tpu.enqueue_indirect_dma source(%dma_start3A_10 : memref<10240x64xbf16, #tpu.memory_space<hbm>>) target(%arg8 : memref<400x64xbf16, #tpu.memory_space<vmem>>) offsets(%dma_start3A_7 : memref<400xi32, #tpu.memory_space<vmem>>) semaphore(%arg12 : memref<!tpu.dma_semaphore, #tpu.memory_space<semaphore_mem>>)
    %scan3A = arith.constant 0 : i32
    %scan3A_11 = arith.constant 0 : i32
    %scan3A_12 = arith.constant 12 : i32
    %scan3A_13 = arith.addi %scan3A_11, %scan3A_12 : i32
    %scan3A_14 = arith.constant 1 : i32
    scf.for %scan3A_27 = %scan3A_11 to %scan3A_13 step %scan3A_14  : i32 {
      %mul3A_28 = arith.constant 2 : i32
      %mul3A_29 = arith.muli %mul3A_28, %scan3A_27 : i32
      %add3A_30 = arith.constant 1 : i32
      %add3A_31 = arith.addi %mul3A_29, %add3A_30 : i32
      %dma_start3A_32 = arith.constant 0 : i32
      %dma_start3A_33 = tpu.memref_slice %arg6[%add3A_31, %dma_start3A_32] : memref<25x400xi32, #tpu.memory_space<vmem>> -> memref<1x400xi32, #tpu.memory_space<vmem>>
      %dma_start3A_34 = tpu.memref_squeeze %dma_start3A_33 : memref<1x400xi32, #tpu.memory_space<vmem>> -> memref<400xi32, #tpu.memory_space<vmem>>
      %dma_start3A_35 = arith.constant 0 : i32
      %dma_start3A_36 = arith.constant 0 : i32
      %dma_start3A_37 = tpu.memref_slice %arg2[%dma_start3A_35, %dma_start3A_36] : memref<10240x64xbf16, #tpu.memory_space<hbm>> -> memref<10240x64xbf16, #tpu.memory_space<hbm>>
      tpu.enqueue_indirect_dma source(%dma_start3A_37 : memref<10240x64xbf16, #tpu.memory_space<hbm>>) target(%arg9 : memref<400x64xbf16, #tpu.memory_space<vmem>>) offsets(%dma_start3A_34 : memref<400xi32, #tpu.memory_space<vmem>>) semaphore(%arg13 : memref<!tpu.dma_semaphore, #tpu.memory_space<semaphore_mem>>)
      %dma_wait3A_38 = arith.constant 0 : i32
      %dma_wait3A_39 = arith.constant 0 : i32
      %dma_wait3A_40 = tpu.memref_slice %arg6[%dma_wait3A_38, %dma_wait3A_39] : memref<25x400xi32, #tpu.memory_space<vmem>> -> memref<1x400xi32, #tpu.memory_space<vmem>>
      %dma_wait3A_41 = tpu.memref_squeeze %dma_wait3A_40 : memref<1x400xi32, #tpu.memory_space<vmem>> -> memref<400xi32, #tpu.memory_space<vmem>>
      %dma_wait3A_42 = arith.constant 0 : i32
      %dma_wait3A_43 = arith.constant 0 : i32
      %dma_wait3A_44 = tpu.memref_slice %arg2[%dma_wait3A_42, %dma_wait3A_43] : memref<10240x64xbf16, #tpu.memory_space<hbm>> -> memref<10240x64xbf16, #tpu.memory_space<hbm>>
      tpu.wait_indirect_dma semaphore(%arg12 : memref<!tpu.dma_semaphore, #tpu.memory_space<semaphore_mem>>) src(%dma_wait3A_44 : memref<10240x64xbf16, #tpu.memory_space<hbm>>) dst(%arg8 : memref<400x64xbf16, #tpu.memory_space<vmem>>)
      "tpu.region"() ({
        %run_scoped3A_62 = tpu.sem_alloc : memref<!tpu.dma_semaphore, #tpu.memory_space<semaphore_mem>>
        %dma_start3A_63 = arith.constant 0 : i32
        %dma_start3A_64 = tpu.memref_slice %arg7[%mul3A_29, %dma_start3A_63] : memref<25x400xi32, #tpu.memory_space<vmem>> -> memref<1x400xi32, #tpu.memory_space<vmem>>
        %dma_start3A_65 = tpu.memref_squeeze %dma_start3A_64 : memref<1x400xi32, #tpu.memory_space<vmem>> -> memref<400xi32, #tpu.memory_space<vmem>>
        %dma_start3A_66 = arith.constant 0 : i32
        %dma_start3A_67 = arith.constant 0 : i32
        %dma_start3A_68 = tpu.memref_slice %arg11[%dma_start3A_66, %dma_start3A_67] : memref<10240x64xbf16, #tpu.memory_space<vmem_shared>> -> memref<10240x64xbf16, #tpu.memory_space<vmem_shared>>
        tpu.enqueue_indirect_dma source(%arg8 : memref<400x64xbf16, #tpu.memory_space<vmem>>) target(%dma_start3A_68 : memref<10240x64xbf16, #tpu.memory_space<vmem_shared>>) offsets(%dma_start3A_65 : memref<400xi32, #tpu.memory_space<vmem>>) semaphore(%run_scoped3A_62 : memref<!tpu.dma_semaphore, #tpu.memory_space<semaphore_mem>>) {add = true}
        %dma_wait3A_69 = arith.constant 0 : i32
        %dma_wait3A_70 = tpu.memref_slice %arg7[%mul3A_29, %dma_wait3A_69] : memref<25x400xi32, #tpu.memory_space<vmem>> -> memref<1x400xi32, #tpu.memory_space<vmem>>
        %dma_wait3A_71 = tpu.memref_squeeze %dma_wait3A_70 : memref<1x400xi32, #tpu.memory_space<vmem>> -> memref<400xi32, #tpu.memory_space<vmem>>
        %dma_wait3A_72 = arith.constant 0 : i32
        %dma_wait3A_73 = arith.constant 0 : i32
        %dma_wait3A_74 = tpu.memref_slice %arg11[%dma_wait3A_72, %dma_wait3A_73] : memref<10240x64xbf16, #tpu.memory_space<vmem_shared>> -> memref<10240x64xbf16, #tpu.memory_space<vmem_shared>>
        tpu.wait_indirect_dma semaphore(%run_scoped3A_62 : memref<!tpu.dma_semaphore, #tpu.memory_space<semaphore_mem>>) src(%arg8 : memref<400x64xbf16, #tpu.memory_space<vmem>>) dst(%dma_wait3A_74 : memref<10240x64xbf16, #tpu.memory_space<vmem_shared>>)
        tpu.yield
      }) : () -> ()
      %add3A_45 = arith.constant 2 : i32
      %add3A_46 = arith.addi %mul3A_29, %add3A_45 : i32
      %dma_start3A_47 = arith.constant 0 : i32
      %dma_start3A_48 = tpu.memref_slice %arg6[%add3A_46, %dma_start3A_47] : memref<25x400xi32, #tpu.memory_space<vmem>> -> memref<1x400xi32, #tpu.memory_space<vmem>>
      %dma_start3A_49 = tpu.memref_squeeze %dma_start3A_48 : memref<1x400xi32, #tpu.memory_space<vmem>> -> memref<400xi32, #tpu.memory_space<vmem>>
      %dma_start3A_50 = arith.constant 0 : i32
      %dma_start3A_51 = arith.constant 0 : i32
      %dma_start3A_52 = tpu.memref_slice %arg2[%dma_start3A_50, %dma_start3A_51] : memref<10240x64xbf16, #tpu.memory_space<hbm>> -> memref<10240x64xbf16, #tpu.memory_space<hbm>>
      tpu.enqueue_indirect_dma source(%dma_start3A_52 : memref<10240x64xbf16, #tpu.memory_space<hbm>>) target(%arg8 : memref<400x64xbf16, #tpu.memory_space<vmem>>) offsets(%dma_start3A_49 : memref<400xi32, #tpu.memory_space<vmem>>) semaphore(%arg12 : memref<!tpu.dma_semaphore, #tpu.memory_space<semaphore_mem>>)
      %dma_wait3A_53 = arith.constant 0 : i32
      %dma_wait3A_54 = arith.constant 0 : i32
      %dma_wait3A_55 = tpu.memref_slice %arg6[%dma_wait3A_53, %dma_wait3A_54] : memref<25x400xi32, #tpu.memory_space<vmem>> -> memref<1x400xi32, #tpu.memory_space<vmem>>
      %dma_wait3A_56 = tpu.memref_squeeze %dma_wait3A_55 : memref<1x400xi32, #tpu.memory_space<vmem>> -> memref<400xi32, #tpu.memory_space<vmem>>
      %dma_wait3A_57 = arith.constant 0 : i32
      %dma_wait3A_58 = arith.constant 0 : i32
      %dma_wait3A_59 = tpu.memref_slice %arg2[%dma_wait3A_57, %dma_wait3A_58] : memref<10240x64xbf16, #tpu.memory_space<hbm>> -> memref<10240x64xbf16, #tpu.memory_space<hbm>>
      tpu.wait_indirect_dma semaphore(%arg13 : memref<!tpu.dma_semaphore, #tpu.memory_space<semaphore_mem>>) src(%dma_wait3A_59 : memref<10240x64xbf16, #tpu.memory_space<hbm>>) dst(%arg9 : memref<400x64xbf16, #tpu.memory_space<vmem>>)
      %add3A_60 = arith.constant 1 : i32
      %add3A_61 = arith.addi %mul3A_29, %add3A_60 : i32
      "tpu.region"() ({
        %run_scoped3A_62 = tpu.sem_alloc : memref<!tpu.dma_semaphore, #tpu.memory_space<semaphore_mem>>
        %dma_start3A_63 = arith.constant 0 : i32
        %dma_start3A_64 = tpu.memref_slice %arg7[%add3A_61, %dma_start3A_63] : memref<25x400xi32, #tpu.memory_space<vmem>> -> memref<1x400xi32, #tpu.memory_space<vmem>>
        %dma_start3A_65 = tpu.memref_squeeze %dma_start3A_64 : memref<1x400xi32, #tpu.memory_space<vmem>> -> memref<400xi32, #tpu.memory_space<vmem>>
        %dma_start3A_66 = arith.constant 0 : i32
        %dma_start3A_67 = arith.constant 0 : i32
        %dma_start3A_68 = tpu.memref_slice %arg11[%dma_start3A_66, %dma_start3A_67] : memref<10240x64xbf16, #tpu.memory_space<vmem_shared>> -> memref<10240x64xbf16, #tpu.memory_space<vmem_shared>>
        tpu.enqueue_indirect_dma source(%arg9 : memref<400x64xbf16, #tpu.memory_space<vmem>>) target(%dma_start3A_68 : memref<10240x64xbf16, #tpu.memory_space<vmem_shared>>) offsets(%dma_start3A_65 : memref<400xi32, #tpu.memory_space<vmem>>) semaphore(%run_scoped3A_62 : memref<!tpu.dma_semaphore, #tpu.memory_space<semaphore_mem>>) {add = true}
        %dma_wait3A_69 = arith.constant 0 : i32
        %dma_wait3A_70 = tpu.memref_slice %arg7[%add3A_61, %dma_wait3A_69] : memref<25x400xi32, #tpu.memory_space<vmem>> -> memref<1x400xi32, #tpu.memory_space<vmem>>
        %dma_wait3A_71 = tpu.memref_squeeze %dma_wait3A_70 : memref<1x400xi32, #tpu.memory_space<vmem>> -> memref<400xi32, #tpu.memory_space<vmem>>
        %dma_wait3A_72 = arith.constant 0 : i32
        %dma_wait3A_73 = arith.constant 0 : i32
        %dma_wait3A_74 = tpu.memref_slice %arg11[%dma_wait3A_72, %dma_wait3A_73] : memref<10240x64xbf16, #tpu.memory_space<vmem_shared>> -> memref<10240x64xbf16, #tpu.memory_space<vmem_shared>>
        tpu.wait_indirect_dma semaphore(%run_scoped3A_62 : memref<!tpu.dma_semaphore, #tpu.memory_space<semaphore_mem>>) src(%arg9 : memref<400x64xbf16, #tpu.memory_space<vmem>>) dst(%dma_wait3A_74 : memref<10240x64xbf16, #tpu.memory_space<vmem_shared>>)
        tpu.yield
      }) : () -> ()
    }
    %scan3A_15 = arith.constant 12 : i32
    %dma_wait3A = arith.constant 0 : i32
    %dma_wait3A_16 = arith.constant 0 : i32
    %dma_wait3A_17 = tpu.memref_slice %arg6[%dma_wait3A, %dma_wait3A_16] : memref<25x400xi32, #tpu.memory_space<vmem>> -> memref<1x400xi32, #tpu.memory_space<vmem>>
    %dma_wait3A_18 = tpu.memref_squeeze %dma_wait3A_17 : memref<1x400xi32, #tpu.memory_space<vmem>> -> memref<400xi32, #tpu.memory_space<vmem>>
    %dma_wait3A_19 = arith.constant 0 : i32
    %dma_wait3A_20 = arith.constant 0 : i32
    %dma_wait3A_21 = tpu.memref_slice %arg2[%dma_wait3A_19, %dma_wait3A_20] : memref<10240x64xbf16, #tpu.memory_space<hbm>> -> memref<10240x64xbf16, #tpu.memory_space<hbm>>
    tpu.wait_indirect_dma semaphore(%arg12 : memref<!tpu.dma_semaphore, #tpu.memory_space<semaphore_mem>>) src(%dma_wait3A_21 : memref<10240x64xbf16, #tpu.memory_space<hbm>>) dst(%arg8 : memref<400x64xbf16, #tpu.memory_space<vmem>>)
    %run_scoped3A = arith.constant 24 : i32
    "tpu.region"() ({
      %run_scoped3A_27 = tpu.sem_alloc : memref<!tpu.dma_semaphore, #tpu.memory_space<semaphore_mem>>
      %dma_start3A_28 = arith.constant 0 : i32
      %dma_start3A_29 = tpu.memref_slice %arg7[%run_scoped3A, %dma_start3A_28] : memref<25x400xi32, #tpu.memory_space<vmem>> -> memref<1x400xi32, #tpu.memory_space<vmem>>
      %dma_start3A_30 = tpu.memref_squeeze %dma_start3A_29 : memref<1x400xi32, #tpu.memory_space<vmem>> -> memref<400xi32, #tpu.memory_space<vmem>>
      %dma_start3A_31 = arith.constant 0 : i32
      %dma_start3A_32 = arith.constant 0 : i32
      %dma_start3A_33 = tpu.memref_slice %arg11[%dma_start3A_31, %dma_start3A_32] : memref<10240x64xbf16, #tpu.memory_space<vmem_shared>> -> memref<10240x64xbf16, #tpu.memory_space<vmem_shared>>
      tpu.enqueue_indirect_dma source(%arg8 : memref<400x64xbf16, #tpu.memory_space<vmem>>) target(%dma_start3A_33 : memref<10240x64xbf16, #tpu.memory_space<vmem_shared>>) offsets(%dma_start3A_30 : memref<400xi32, #tpu.memory_space<vmem>>) semaphore(%run_scoped3A_27 : memref<!tpu.dma_semaphore, #tpu.memory_space<semaphore_mem>>) {add = true}
      %dma_wait3A_34 = arith.constant 0 : i32
      %dma_wait3A_35 = tpu.memref_slice %arg7[%run_scoped3A, %dma_wait3A_34] : memref<25x400xi32, #tpu.memory_space<vmem>> -> memref<1x400xi32, #tpu.memory_space<vmem>>
      %dma_wait3A_36 = tpu.memref_squeeze %dma_wait3A_35 : memref<1x400xi32, #tpu.memory_space<vmem>> -> memref<400xi32, #tpu.memory_space<vmem>>
      %dma_wait3A_37 = arith.constant 0 : i32
      %dma_wait3A_38 = arith.constant 0 : i32
      %dma_wait3A_39 = tpu.memref_slice %arg11[%dma_wait3A_37, %dma_wait3A_38] : memref<10240x64xbf16, #tpu.memory_space<vmem_shared>> -> memref<10240x64xbf16, #tpu.memory_space<vmem_shared>>
      tpu.wait_indirect_dma semaphore(%run_scoped3A_27 : memref<!tpu.dma_semaphore, #tpu.memory_space<semaphore_mem>>) src(%arg8 : memref<400x64xbf16, #tpu.memory_space<vmem>>) dst(%dma_wait3A_39 : memref<10240x64xbf16, #tpu.memory_space<vmem_shared>>)
      tpu.yield
    }) : () -> ()
    %barrier3A_22 = arith.constant 0 : index
    tpu.barrier barrier_id(%barrier3A_22)
    %mul3A_23 = arith.constant 640 : i32
    %mul3A_24 = arith.muli %arg1, %mul3A_23 : i32
    "tpu.region"() ({
      %run_scoped3A_27 = tpu.sem_alloc : memref<!tpu.dma_semaphore, #tpu.memory_space<semaphore_mem>>
      %dma_start3A_28 = arith.constant 0 : i32
      %dma_start3A_29 = tpu.memref_slice %arg11[%mul3A_24, %dma_start3A_28] : memref<10240x64xbf16, #tpu.memory_space<vmem_shared>> -> memref<640x64xbf16, #tpu.memory_space<vmem_shared>>
      %dma_start3A_30 = arith.constant 0 : i32
      %dma_start3A_31 = tpu.memref_slice %arg11[%mul3A_24, %dma_start3A_30] : memref<10240x64xbf16, #tpu.memory_space<vmem_shared>> -> memref<640x64xbf16, #tpu.memory_space<vmem_shared>>
      tpu.enqueue_dma source(%dma_start3A_31 : memref<640x64xbf16, #tpu.memory_space<vmem_shared>>) target(%arg10 : memref<640x64xbf16, #tpu.memory_space<vmem>>) target_semaphore(%run_scoped3A_27 : memref<!tpu.dma_semaphore, #tpu.memory_space<semaphore_mem>>)
      %dma_wait3A_32 = arith.constant 0 : i32
      %dma_wait3A_33 = tpu.memref_slice %arg11[%mul3A_24, %dma_wait3A_32] : memref<10240x64xbf16, #tpu.memory_space<vmem_shared>> -> memref<640x64xbf16, #tpu.memory_space<vmem_shared>>
      %dma_wait3A_34 = arith.constant 0 : i32
      %dma_wait3A_35 = tpu.memref_slice %arg11[%mul3A_24, %dma_wait3A_34] : memref<10240x64xbf16, #tpu.memory_space<vmem_shared>> -> memref<640x64xbf16, #tpu.memory_space<vmem_shared>>
      tpu.wait_dma2 semaphore(%run_scoped3A_27 : memref<!tpu.dma_semaphore, #tpu.memory_space<semaphore_mem>>) src(%dma_wait3A_35 : memref<640x64xbf16, #tpu.memory_space<vmem_shared>>) dst(%arg10 : memref<640x64xbf16, #tpu.memory_space<vmem>>)
      tpu.yield
    }) : () -> ()
    %mul3A_25 = arith.constant 640 : i32
    %mul3A_26 = arith.muli %arg1, %mul3A_25 : i32
    "tpu.region"() ({
      %run_scoped3A_27 = tpu.sem_alloc : memref<!tpu.dma_semaphore, #tpu.memory_space<semaphore_mem>>
      %dma_start3A_28 = arith.constant 0 : i32
      %dma_start3A_29 = arith.constant 0 : i32
      %dma_start3A_30 = tpu.memref_slice %arg5[%arg0, %dma_start3A_28, %dma_start3A_29] : memref<2x10240x64xbf16, #tpu.memory_space<hbm>> -> memref<1x10240x64xbf16, #tpu.memory_space<hbm>>
      %dma_start3A_31 = tpu.memref_squeeze %dma_start3A_30 : memref<1x10240x64xbf16, #tpu.memory_space<hbm>> -> memref<10240x64xbf16, #tpu.memory_space<hbm>>
      %dma_start3A_32 = arith.constant 0 : i32
      %dma_start3A_33 = tpu.memref_slice %dma_start3A_31[%mul3A_26, %dma_start3A_32] : memref<10240x64xbf16, #tpu.memory_space<hbm>> -> memref<640x64xbf16, #tpu.memory_space<hbm>>
      %dma_start3A_34 = arith.constant 0 : i32
      %dma_start3A_35 = arith.constant 0 : i32
      %dma_start3A_36 = tpu.memref_slice %arg5[%arg0, %dma_start3A_34, %dma_start3A_35] : memref<2x10240x64xbf16, #tpu.memory_space<hbm>> -> memref<1x10240x64xbf16, #tpu.memory_space<hbm>>
      %dma_start3A_37 = tpu.memref_squeeze %dma_start3A_36 : memref<1x10240x64xbf16, #tpu.memory_space<hbm>> -> memref<10240x64xbf16, #tpu.memory_space<hbm>>
      %dma_start3A_38 = arith.constant 0 : i32
      %dma_start3A_39 = tpu.memref_slice %dma_start3A_37[%mul3A_26, %dma_start3A_38] : memref<10240x64xbf16, #tpu.memory_space<hbm>> -> memref<640x64xbf16, #tpu.memory_space<hbm>>
      tpu.enqueue_dma source(%arg10 : memref<640x64xbf16, #tpu.memory_space<vmem>>) target(%dma_start3A_39 : memref<640x64xbf16, #tpu.memory_space<hbm>>) target_semaphore(%run_scoped3A_27 : memref<!tpu.dma_semaphore, #tpu.memory_space<semaphore_mem>>)
      %dma_wait3A_40 = arith.constant 0 : i32
      %dma_wait3A_41 = arith.constant 0 : i32
      %dma_wait3A_42 = tpu.memref_slice %arg5[%arg0, %dma_wait3A_40, %dma_wait3A_41] : memref<2x10240x64xbf16, #tpu.memory_space<hbm>> -> memref<1x10240x64xbf16, #tpu.memory_space<hbm>>
      %dma_wait3A_43 = tpu.memref_squeeze %dma_wait3A_42 : memref<1x10240x64xbf16, #tpu.memory_space<hbm>> -> memref<10240x64xbf16, #tpu.memory_space<hbm>>
      %dma_wait3A_44 = arith.constant 0 : i32
      %dma_wait3A_45 = tpu.memref_slice %dma_wait3A_43[%mul3A_26, %dma_wait3A_44] : memref<10240x64xbf16, #tpu.memory_space<hbm>> -> memref<640x64xbf16, #tpu.memory_space<hbm>>
      %dma_wait3A_46 = arith.constant 0 : i32
      %dma_wait3A_47 = arith.constant 0 : i32
      %dma_wait3A_48 = tpu.memref_slice %arg5[%arg0, %dma_wait3A_46, %dma_wait3A_47] : memref<2x10240x64xbf16, #tpu.memory_space<hbm>> -> memref<1x10240x64xbf16, #tpu.memory_space<hbm>>
      %dma_wait3A_49 = tpu.memref_squeeze %dma_wait3A_48 : memref<1x10240x64xbf16, #tpu.memory_space<hbm>> -> memref<10240x64xbf16, #tpu.memory_space<hbm>>
      %dma_wait3A_50 = arith.constant 0 : i32
      %dma_wait3A_51 = tpu.memref_slice %dma_wait3A_49[%mul3A_26, %dma_wait3A_50] : memref<10240x64xbf16, #tpu.memory_space<hbm>> -> memref<640x64xbf16, #tpu.memory_space<hbm>>
      tpu.wait_dma2 semaphore(%run_scoped3A_27 : memref<!tpu.dma_semaphore, #tpu.memory_space<semaphore_mem>>) src(%arg10 : memref<640x64xbf16, #tpu.memory_space<vmem>>) dst(%dma_wait3A_51 : memref<640x64xbf16, #tpu.memory_space<hbm>>)
      tpu.yield
    }) : () -> ()
    return
  }
}

module attributes {stable_mosaic.version = 14 : i64} {
  func.func @_stage_b(%arg0: memref<10240x128xf32, #tpu.memory_space<vmem>>, %arg1: memref<128x64xf32, #tpu.memory_space<vmem>>, %arg2: memref<2x10240x8xf32, #tpu.memory_space<vmem>>, %arg3: memref<10240x64xbf16, #tpu.memory_space<vmem>>, %arg4: memref<10240x1xf32, #tpu.memory_space<vmem>>) attributes {dimension_semantics = [], scalar_prefetch = 0 : i64, scratch_operands = 0 : i64, tpu.core_type = #tpu.core_type<tc>} {
    %get3A = arith.constant 0 : index
    %get3A_0 = arith.constant 0 : index
    %get3A_1 = arith.constant 0 : index
    %get3A_2 = vector.load %arg2[%get3A, %get3A_0, %get3A_1] : memref<2x10240x8xf32, #tpu.memory_space<vmem>>, vector<1x10240x1xf32>
    %get3A_3 = vector.shape_cast %get3A_2 : vector<1x10240x1xf32> to vector<10240x1xf32>
    %get3A_4 = arith.constant 1 : index
    %get3A_5 = arith.constant 0 : index
    %get3A_6 = arith.constant 0 : index
    %get3A_7 = vector.load %arg2[%get3A_4, %get3A_5, %get3A_6] : memref<2x10240x8xf32, #tpu.memory_space<vmem>>, vector<1x10240x1xf32>
    %get3A_8 = vector.shape_cast %get3A_7 : vector<1x10240x1xf32> to vector<10240x1xf32>
    %add3A = arith.addf %get3A_3, %get3A_8 : vector<10240x1xf32>
    %sub3A = arith.constant 1.000000e+00 : f32
    %sub3A_9 = vector.broadcast %sub3A : f32 to vector<10240x1xf32>
    %sub3A_10 = arith.subf %add3A, %sub3A_9 : vector<10240x1xf32>
    %rsqrt3A = math.rsqrt %sub3A_10 : vector<10240x1xf32>
    %get3A_11 = arith.constant 0 : index
    %get3A_12 = arith.constant 0 : index
    %get3A_13 = vector.load %arg0[%get3A_11, %get3A_12] : memref<10240x128xf32, #tpu.memory_space<vmem>>, vector<10240x128xf32>
    %get3A_14 = arith.constant 0 : index
    %get3A_15 = arith.constant 0 : index
    %get3A_16 = vector.load %arg1[%get3A_14, %get3A_15] : memref<128x64xf32, #tpu.memory_space<vmem>>, vector<128x64xf32>
    %dot_general3A = arith.constant dense<0.000000e+00> : vector<10240x64xf32>
    %dot_general3A_17 = tpu.matmul %get3A_13, %get3A_16, %dot_general3A {dimension_numbers = #tpu.dot_dimension_numbers<[1], [0], [0], [1], [0, 0, 1, 1], [], []>, transpose_lhs_hint = false} : vector<10240x128xf32>, vector<128x64xf32>, vector<10240x64xf32> -> vector<10240x64xf32>
    %mul3A = vector.broadcast %rsqrt3A : vector<10240x1xf32> to vector<10240x64xf32>
    %mul3A_18 = arith.mulf %dot_general3A_17, %mul3A : vector<10240x64xf32>
    %convert_element_type3A = arith.truncf %mul3A_18 : vector<10240x64xf32> to vector<10240x64xbf16>
    %swap3A = arith.constant 0 : index
    %swap3A_19 = arith.constant 0 : index
    %swap3A_20 = vector.load %arg3[%swap3A, %swap3A_19] : memref<10240x64xbf16, #tpu.memory_space<vmem>>, vector<10240x64xbf16>
    tpu.vector_store %arg3[%swap3A, %swap3A_19], %convert_element_type3A {strides = array<i32>} : memref<10240x64xbf16, #tpu.memory_space<vmem>>, vector<10240x64xbf16>,
    %swap3A_21 = arith.constant 0 : index
    %swap3A_22 = arith.constant 0 : index
    %swap3A_23 = vector.load %arg4[%swap3A_21, %swap3A_22] : memref<10240x1xf32, #tpu.memory_space<vmem>>, vector<10240x1xf32>
    tpu.vector_store %arg4[%swap3A_21, %swap3A_22], %rsqrt3A {strides = array<i32>} : memref<10240x1xf32, #tpu.memory_space<vmem>>, vector<10240x1xf32>,
    return
  }
}

module attributes {stable_mosaic.version = 14 : i64} {
  func.func @_stage_d(%arg0: memref<2x10240x64xbf16, #tpu.memory_space<vmem>>, %arg1: memref<10240x64xbf16, #tpu.memory_space<vmem>>, %arg2: memref<10240x1xf32, #tpu.memory_space<vmem>>, %arg3: memref<64xf32, #tpu.memory_space<vmem>>, %arg4: memref<64x64xf32, #tpu.memory_space<vmem>>, %arg5: memref<10240x64xbf16, #tpu.memory_space<vmem>>) attributes {dimension_semantics = [], scalar_prefetch = 0 : i64, scratch_operands = 0 : i64, tpu.core_type = #tpu.core_type<tc>} {
    %get3A = arith.constant 0 : index
    %get3A_0 = arith.constant 0 : index
    %get3A_1 = vector.load %arg2[%get3A, %get3A_0] : memref<10240x1xf32, #tpu.memory_space<vmem>>, vector<10240x1xf32>
    %get3A_2 = arith.constant 0 : index
    %get3A_3 = arith.constant 0 : index
    %get3A_4 = arith.constant 0 : index
    %get3A_5 = vector.load %arg0[%get3A_2, %get3A_3, %get3A_4] : memref<2x10240x64xbf16, #tpu.memory_space<vmem>>, vector<1x10240x64xbf16>
    %get3A_6 = vector.shape_cast %get3A_5 : vector<1x10240x64xbf16> to vector<10240x64xbf16>
    %convert_element_type3A = arith.extf %get3A_6 : vector<10240x64xbf16> to vector<10240x64xf32>
    %get3A_7 = arith.constant 1 : index
    %get3A_8 = arith.constant 0 : index
    %get3A_9 = arith.constant 0 : index
    %get3A_10 = vector.load %arg0[%get3A_7, %get3A_8, %get3A_9] : memref<2x10240x64xbf16, #tpu.memory_space<vmem>>, vector<1x10240x64xbf16>
    %get3A_11 = vector.shape_cast %get3A_10 : vector<1x10240x64xbf16> to vector<10240x64xbf16>
    %convert_element_type3A_12 = arith.extf %get3A_11 : vector<10240x64xbf16> to vector<10240x64xf32>
    %add3A = arith.addf %convert_element_type3A, %convert_element_type3A_12 : vector<10240x64xf32>
    %get3A_13 = arith.constant 0 : index
    %get3A_14 = arith.constant 0 : index
    %get3A_15 = vector.load %arg1[%get3A_13, %get3A_14] : memref<10240x64xbf16, #tpu.memory_space<vmem>>, vector<10240x64xbf16>
    %convert_element_type3A_16 = arith.extf %get3A_15 : vector<10240x64xbf16> to vector<10240x64xf32>
    %sub3A = arith.subf %add3A, %convert_element_type3A_16 : vector<10240x64xf32>
    %mul3A = vector.broadcast %get3A_1 : vector<10240x1xf32> to vector<10240x64xf32>
    %mul3A_17 = arith.mulf %sub3A, %mul3A : vector<10240x64xf32>
    %get3A_18 = arith.constant 0 : index
    %get3A_19 = vector.load %arg3[%get3A_18] : memref<64xf32, #tpu.memory_space<vmem>>, vector<64xf32>
    %broadcast_in_dim3A = vector.shape_cast %get3A_19 : vector<64xf32> to vector<1x64xf32>
    %add3A_20 = vector.broadcast %broadcast_in_dim3A : vector<1x64xf32> to vector<10240x64xf32>
    %add3A_21 = arith.addf %mul3A_17, %add3A_20 : vector<10240x64xf32>
    %max3A = arith.constant 0.000000e+00 : f32
    %max3A_22 = vector.broadcast %max3A : f32 to vector<10240x64xf32>
    %max3A_23 = arith.maximumf %add3A_21, %max3A_22 : vector<10240x64xf32>
    %get3A_24 = arith.constant 0 : index
    %get3A_25 = arith.constant 0 : index
    %get3A_26 = vector.load %arg4[%get3A_24, %get3A_25] : memref<64x64xf32, #tpu.memory_space<vmem>>, vector<64x64xf32>
    %dot_general3A = arith.constant dense<0.000000e+00> : vector<10240x64xf32>
    %dot_general3A_27 = tpu.matmul %max3A_23, %get3A_26, %dot_general3A {dimension_numbers = #tpu.dot_dimension_numbers<[1], [0], [0], [1], [0, 0, 1, 1], [], []>, transpose_lhs_hint = false} : vector<10240x64xf32>, vector<64x64xf32>, vector<10240x64xf32> -> vector<10240x64xf32>
    %mul3A_28 = vector.broadcast %get3A_1 : vector<10240x1xf32> to vector<10240x64xf32>
    %mul3A_29 = arith.mulf %dot_general3A_27, %mul3A_28 : vector<10240x64xf32>
    %convert_element_type3A_30 = arith.truncf %mul3A_29 : vector<10240x64xf32> to vector<10240x64xbf16>
    %swap3A = arith.constant 0 : index
    %swap3A_31 = arith.constant 0 : index
    %swap3A_32 = vector.load %arg5[%swap3A, %swap3A_31] : memref<10240x64xbf16, #tpu.memory_space<vmem>>, vector<10240x64xbf16>
    tpu.vector_store %arg5[%swap3A, %swap3A_31], %convert_element_type3A_30 {strides = array<i32>} : memref<10240x64xbf16, #tpu.memory_space<vmem>>, vector<10240x64xbf16>,
    return
  }
}

module attributes {stable_mosaic.version = 14 : i64} {
  func.func @_stage_f(%arg0: memref<2x10240x64xbf16, #tpu.memory_space<vmem>>, %arg1: memref<10240x64xbf16, #tpu.memory_space<vmem>>, %arg2: memref<10240x1xf32, #tpu.memory_space<vmem>>, %arg3: memref<64xf32, #tpu.memory_space<vmem>>, %arg4: memref<1x10240xi32, #tpu.memory_space<vmem>>, %arg5: memref<64x128xf32, #tpu.memory_space<vmem>>, %arg6: memref<128x64xf32, #tpu.memory_space<vmem>>, %arg7: memref<64xf32, #tpu.memory_space<vmem>>, %arg8: memref<64xf32, #tpu.memory_space<vmem>>, %arg9: memref<64xf32, #tpu.memory_space<vmem>>, %arg10: memref<128x32xf32, #tpu.memory_space<vmem>>, %arg11: memref<32xf32, #tpu.memory_space<vmem>>, %arg12: memref<32x1xf32, #tpu.memory_space<vmem>>, %arg13: memref<1xf32, #tpu.memory_space<vmem>>, %arg14: memref<64x1xf32, #tpu.memory_space<vmem>>) attributes {dimension_semantics = [], scalar_prefetch = 0 : i64, scratch_operands = 0 : i64, tpu.core_type = #tpu.core_type<tc>} {
    %get3A = arith.constant 0 : index
    %get3A_0 = arith.constant 0 : index
    %get3A_1 = arith.constant 0 : index
    %get3A_2 = vector.load %arg0[%get3A, %get3A_0, %get3A_1] : memref<2x10240x64xbf16, #tpu.memory_space<vmem>>, vector<1x10240x64xbf16>
    %get3A_3 = vector.shape_cast %get3A_2 : vector<1x10240x64xbf16> to vector<10240x64xbf16>
    %convert_element_type3A = arith.extf %get3A_3 : vector<10240x64xbf16> to vector<10240x64xf32>
    %get3A_4 = arith.constant 1 : index
    %get3A_5 = arith.constant 0 : index
    %get3A_6 = arith.constant 0 : index
    %get3A_7 = vector.load %arg0[%get3A_4, %get3A_5, %get3A_6] : memref<2x10240x64xbf16, #tpu.memory_space<vmem>>, vector<1x10240x64xbf16>
    %get3A_8 = vector.shape_cast %get3A_7 : vector<1x10240x64xbf16> to vector<10240x64xbf16>
    %convert_element_type3A_9 = arith.extf %get3A_8 : vector<10240x64xbf16> to vector<10240x64xf32>
    %add3A = arith.addf %convert_element_type3A, %convert_element_type3A_9 : vector<10240x64xf32>
    %get3A_10 = arith.constant 0 : index
    %get3A_11 = arith.constant 0 : index
    %get3A_12 = vector.load %arg1[%get3A_10, %get3A_11] : memref<10240x64xbf16, #tpu.memory_space<vmem>>, vector<10240x64xbf16>
    %convert_element_type3A_13 = arith.extf %get3A_12 : vector<10240x64xbf16> to vector<10240x64xf32>
    %sub3A = arith.subf %add3A, %convert_element_type3A_13 : vector<10240x64xf32>
    %get3A_14 = arith.constant 0 : index
    %get3A_15 = arith.constant 0 : index
    %get3A_16 = vector.load %arg2[%get3A_14, %get3A_15] : memref<10240x1xf32, #tpu.memory_space<vmem>>, vector<10240x1xf32>
    %mul3A = vector.broadcast %get3A_16 : vector<10240x1xf32> to vector<10240x64xf32>
    %mul3A_17 = arith.mulf %sub3A, %mul3A : vector<10240x64xf32>
    %get3A_18 = arith.constant 0 : index
    %get3A_19 = vector.load %arg3[%get3A_18] : memref<64xf32, #tpu.memory_space<vmem>>, vector<64xf32>
    %broadcast_in_dim3A = vector.shape_cast %get3A_19 : vector<64xf32> to vector<1x64xf32>
    %add3A_20 = vector.broadcast %broadcast_in_dim3A : vector<1x64xf32> to vector<10240x64xf32>
    %add3A_21 = arith.addf %mul3A_17, %add3A_20 : vector<10240x64xf32>
    %max3A = arith.constant 0.000000e+00 : f32
    %max3A_22 = vector.broadcast %max3A : f32 to vector<10240x64xf32>
    %max3A_23 = arith.maximumf %add3A_21, %max3A_22 : vector<10240x64xf32>
    %iota3A = tpu.iota {dimensions = array<i32: 0>} : vector<64x10240xi32>
    %get3A_24 = arith.constant 0 : index
    %get3A_25 = arith.constant 0 : index
    %get3A_26 = vector.load %arg4[%get3A_24, %get3A_25] : memref<1x10240xi32, #tpu.memory_space<vmem>>, vector<1x10240xi32>
    %eq3A = vector.broadcast %get3A_26 : vector<1x10240xi32> to vector<64x10240xi32>
    %eq3A_27 = arith.cmpi eq, %iota3A, %eq3A : vector<64x10240xi32>
    %convert_element_type3A_28 = arith.extui %eq3A_27 : vector<64x10240xi1> to vector<64x10240xi32>
    %convert_element_type3A_29 = arith.sitofp %convert_element_type3A_28 : vector<64x10240xi32> to vector<64x10240xf32>
    %dot_general3A = arith.constant dense<0.000000e+00> : vector<64x64xf32>
    %dot_general3A_30 = tpu.matmul %convert_element_type3A_29, %max3A_23, %dot_general3A {dimension_numbers = #tpu.dot_dimension_numbers<[1], [0], [0], [1], [0, 0, 1, 1], [], []>, transpose_lhs_hint = false} : vector<64x10240xf32>, vector<10240x64xf32>, vector<64x64xf32> -> vector<64x64xf32>
    %reduce_sum3A = arith.constant dense<0.000000e+00> : vector<64xf32>
    %reduce_sum3A_31 = vector.multi_reduction <add>, %convert_element_type3A_29, %reduce_sum3A [1] : vector<64x10240xf32> to vector<64xf32>
    %broadcast_in_dim3A_32 = vector.shape_cast %reduce_sum3A_31 : vector<64xf32> to vector<64x1xf32>
    %max3A_33 = arith.constant 1.000000e+00 : f32
    %max3A_34 = vector.broadcast %max3A_33 : f32 to vector<64x1xf32>
    %max3A_35 = arith.maximumf %broadcast_in_dim3A_32, %max3A_34 : vector<64x1xf32>
    %div3A = vector.broadcast %max3A_35 : vector<64x1xf32> to vector<64x64xf32>
    %div3A_36 = arith.divf %dot_general3A_30, %div3A : vector<64x64xf32>
    %get3A_37 = arith.constant 0 : index
    %get3A_38 = arith.constant 0 : index
    %get3A_39 = vector.load %arg5[%get3A_37, %get3A_38] : memref<64x128xf32, #tpu.memory_space<vmem>>, vector<64x128xf32>
    %get3A_40 = arith.constant 0 : index
    %get3A_41 = arith.constant 0 : index
    %get3A_42 = vector.load %arg6[%get3A_40, %get3A_41] : memref<128x64xf32, #tpu.memory_space<vmem>>, vector<128x64xf32>
    %dot_general3A_43 = arith.constant dense<0.000000e+00> : vector<64x64xf32>
    %dot_general3A_44 = tpu.matmul %get3A_39, %get3A_42, %dot_general3A_43 {dimension_numbers = #tpu.dot_dimension_numbers<[1], [0], [0], [1], [0, 0, 1, 1], [], []>, transpose_lhs_hint = false} : vector<64x128xf32>, vector<128x64xf32>, vector<64x64xf32> -> vector<64x64xf32>
    %get3A_45 = arith.constant 0 : index
    %get3A_46 = vector.load %arg7[%get3A_45] : memref<64xf32, #tpu.memory_space<vmem>>, vector<64xf32>
    %broadcast_in_dim3A_47 = vector.shape_cast %get3A_46 : vector<64xf32> to vector<1x64xf32>
    %add3A_48 = vector.broadcast %broadcast_in_dim3A_47 : vector<1x64xf32> to vector<64x64xf32>
    %add3A_49 = arith.addf %dot_general3A_44, %add3A_48 : vector<64x64xf32>
    %reduce_sum3A_50 = arith.constant dense<0.000000e+00> : vector<64xf32>
    %reduce_sum3A_51 = vector.multi_reduction <add>, %add3A_49, %reduce_sum3A_50 [0] : vector<64x64xf32> to vector<64xf32>
    %broadcast_in_dim3A_52 = vector.shape_cast %reduce_sum3A_51 : vector<64xf32> to vector<1x64xf32>
    %div3A_53 = arith.constant 6.400000e+01 : f32
    %div3A_54 = vector.broadcast %div3A_53 : f32 to vector<1x64xf32>
    %div3A_55 = arith.divf %broadcast_in_dim3A_52, %div3A_54 : vector<1x64xf32>
    %sub3A_56 = vector.broadcast %div3A_55 : vector<1x64xf32> to vector<64x64xf32>
    %sub3A_57 = arith.subf %add3A_49, %sub3A_56 : vector<64x64xf32>
    %sub3A_58 = vector.broadcast %div3A_55 : vector<1x64xf32> to vector<64x64xf32>
    %sub3A_59 = arith.subf %add3A_49, %sub3A_58 : vector<64x64xf32>
    %mul3A_60 = arith.mulf %sub3A_57, %sub3A_59 : vector<64x64xf32>
    %reduce_sum3A_61 = arith.constant dense<0.000000e+00> : vector<64xf32>
    %reduce_sum3A_62 = vector.multi_reduction <add>, %mul3A_60, %reduce_sum3A_61 [0] : vector<64x64xf32> to vector<64xf32>
    %broadcast_in_dim3A_63 = vector.shape_cast %reduce_sum3A_62 : vector<64xf32> to vector<1x64xf32>
    %div3A_64 = arith.constant 6.400000e+01 : f32
    %div3A_65 = vector.broadcast %div3A_64 : f32 to vector<1x64xf32>
    %div3A_66 = arith.divf %broadcast_in_dim3A_63, %div3A_65 : vector<1x64xf32>
    %get3A_67 = arith.constant 0 : index
    %get3A_68 = vector.load %arg8[%get3A_67] : memref<64xf32, #tpu.memory_space<vmem>>, vector<64xf32>
    %sub3A_69 = vector.broadcast %div3A_55 : vector<1x64xf32> to vector<64x64xf32>
    %sub3A_70 = arith.subf %add3A_49, %sub3A_69 : vector<64x64xf32>
    %broadcast_in_dim3A_71 = vector.shape_cast %get3A_68 : vector<64xf32> to vector<1x64xf32>
    %mul3A_72 = vector.broadcast %broadcast_in_dim3A_71 : vector<1x64xf32> to vector<64x64xf32>
    %mul3A_73 = arith.mulf %mul3A_72, %sub3A_70 : vector<64x64xf32>
    %add3A_74 = arith.constant 9.99999974E-6 : f32
    %add3A_75 = vector.broadcast %add3A_74 : f32 to vector<1x64xf32>
    %add3A_76 = arith.addf %div3A_66, %add3A_75 : vector<1x64xf32>
    %sqrt3A = math.sqrt %add3A_76 : vector<1x64xf32>
    %div3A_77 = vector.broadcast %sqrt3A : vector<1x64xf32> to vector<64x64xf32>
    %div3A_78 = arith.divf %mul3A_73, %div3A_77 : vector<64x64xf32>
    %get3A_79 = arith.constant 0 : index
    %get3A_80 = vector.load %arg9[%get3A_79] : memref<64xf32, #tpu.memory_space<vmem>>, vector<64xf32>
    %broadcast_in_dim3A_81 = vector.shape_cast %get3A_80 : vector<64xf32> to vector<1x64xf32>
    %add3A_82 = vector.broadcast %broadcast_in_dim3A_81 : vector<1x64xf32> to vector<64x64xf32>
    %add3A_83 = arith.addf %div3A_78, %add3A_82 : vector<64x64xf32>
    %max3A_84 = arith.constant 0.000000e+00 : f32
    %max3A_85 = vector.broadcast %max3A_84 : f32 to vector<64x64xf32>
    %max3A_86 = arith.maximumf %add3A_83, %max3A_85 : vector<64x64xf32>
    %concatenate3A = tpu.concatenate %div3A_36, %max3A_86 in 1 : vector<64x64xf32>, vector<64x64xf32> -> vector<64x128xf32>
    %get3A_87 = arith.constant 0 : index
    %get3A_88 = arith.constant 0 : index
    %get3A_89 = vector.load %arg10[%get3A_87, %get3A_88] : memref<128x32xf32, #tpu.memory_space<vmem>>, vector<128x32xf32>
    %dot_general3A_90 = arith.constant dense<0.000000e+00> : vector<64x32xf32>
    %dot_general3A_91 = tpu.matmul %concatenate3A, %get3A_89, %dot_general3A_90 {dimension_numbers = #tpu.dot_dimension_numbers<[1], [0], [0], [1], [0, 0, 1, 1], [], []>, transpose_lhs_hint = false} : vector<64x128xf32>, vector<128x32xf32>, vector<64x32xf32> -> vector<64x32xf32>
    %get3A_92 = arith.constant 0 : index
    %get3A_93 = vector.load %arg11[%get3A_92] : memref<32xf32, #tpu.memory_space<vmem>>, vector<32xf32>
    %broadcast_in_dim3A_94 = vector.shape_cast %get3A_93 : vector<32xf32> to vector<1x32xf32>
    %add3A_95 = vector.broadcast %broadcast_in_dim3A_94 : vector<1x32xf32> to vector<64x32xf32>
    %add3A_96 = arith.addf %dot_general3A_91, %add3A_95 : vector<64x32xf32>
    %max3A_97 = arith.constant 0.000000e+00 : f32
    %max3A_98 = vector.broadcast %max3A_97 : f32 to vector<64x32xf32>
    %max3A_99 = arith.maximumf %add3A_96, %max3A_98 : vector<64x32xf32>
    %get3A_100 = arith.constant 0 : index
    %get3A_101 = arith.constant 0 : index
    %get3A_102 = vector.load %arg12[%get3A_100, %get3A_101] : memref<32x1xf32, #tpu.memory_space<vmem>>, vector<32x1xf32>
    %dot_general3A_103 = arith.constant dense<0.000000e+00> : vector<64x1xf32>
    %dot_general3A_104 = tpu.matmul %max3A_99, %get3A_102, %dot_general3A_103 {dimension_numbers = #tpu.dot_dimension_numbers<[1], [0], [0], [1], [0, 0, 1, 1], [], []>, transpose_lhs_hint = false} : vector<64x32xf32>, vector<32x1xf32>, vector<64x1xf32> -> vector<64x1xf32>
    %get3A_105 = arith.constant 0 : index
    %get3A_106 = vector.load %arg13[%get3A_105] : memref<1xf32, #tpu.memory_space<vmem>>, vector<1xf32>
    %broadcast_in_dim3A_107 = vector.shape_cast %get3A_106 : vector<1xf32> to vector<1x1xf32>
    %add3A_108 = vector.broadcast %broadcast_in_dim3A_107 : vector<1x1xf32> to vector<64x1xf32>
    %add3A_109 = arith.addf %dot_general3A_104, %add3A_108 : vector<64x1xf32>
    %swap3A = arith.constant 0 : index
    %swap3A_110 = arith.constant 0 : index
    %swap3A_111 = vector.load %arg14[%swap3A, %swap3A_110] : memref<64x1xf32, #tpu.memory_space<vmem>>, vector<64x1xf32>
    tpu.vector_store %arg14[%swap3A, %swap3A_110], %add3A_109 {strides = array<i32>} : memref<64x1xf32, #tpu.memory_space<vmem>>, vector<64x1xf32>,
    return
  }
}

</mosaic_0001>

<sc_bundles>
// kernel: kernel.11.cloned.1.call-start
scs
__scs_entry_jumppad:
0x0: {  	(pc) =	sbr.rel $0x88, $3  }
0x1: {  	(tag) =	ssettag $0x0;
	lr =	simm.s32 $0x1  }
0x2: {  	[smem:$0x3F91] =	sst lr;
	_ =	strace $0xD0000000  }
0x3: {  	_ = 	snop  }
0x4: {  	_ = 	snop  }
0x5: {  	_ = 	snop  }
0x6: {  	_ = 	snop  }
0x7: {  	_ = 	snop  }
__scs_overlays_trampoline_lowered:
0x8: {  	[smem:$0x3FA0] =	sst s0  }
0x9: {  	[smem:$0x3FA1] =	sst s1  }
0xa: {  	[smem:$0x3FA2] =	sst s2  }
0xb: {  	[smem:$0x3FA3] =	sst s3  }
0xc: {  	[smem:$0x3FA4] =	sst s4  }
0xd: {  	[smem:$0x3FA5] =	sst s5  }
0xe: {  	[smem:$0x3FA6] =	sst s6  }
0xf: {  	[smem:$0x3FA7] =	sst s7  }
0x10: {  	[smem:$0x3FA8] =	sst s8  }
0x11: {  	[smem:$0x3FA9] =	sst s9;
	s0 =	simm.s32 @!p0 $0x0  }
0x12: {  	s1 =	sld [smem:$0x3F8F];
	s0 =	simm.s32 @p0 $0x1  }
0x13: {  	[smem:$0x3FAA] =	sst s0;
	s0 =	simm.s32 @!p1 $0x0  }
0x14: {  	s2 =	sld [smem:$0x3F8E];
	s0 =	simm.s32 @p1 $0x1  }
0x15: {  	[smem:$0x3FAB] =	sst s0;
	s0 =	simm.s32 @!p2 $0x0  }
0x16: {  	s3 =	sld [smem:$0x3FDB];
	s0 =	simm.s32 @p2 $0x1  }
0x17: {  	s4 =	simm.s32 $0x1BF5;
	[smem:$0x3FAD] =	sst s0  }
0x18: {  	s0 =	sld [smem:$0x3F90];
	_ =	swait.ge [sflag:s4], $0x0  }
0x19: {  	s7 =	sld [smem:$0x3F91]  }
0x1a: {  	s8 =	sadd.s32 $0xFFFFE003, lr  }
0x1b: {  	s9 =	sadd.s32 $0xFFFFFEF7, lr;
	s5 =	simm.s32 $0xFFFFFFFF;
	p2 =	slt.u32 s8, $0xFFFFF086  }
0x1c: {  	p1 =	slt.u32 s9, $0xF7A;
	s5 =	simm.s32 @!p2 $0x0  }
0x1d: {  	s5 =	simm.s32 @p1 $0x1;
	p0 =	seq.s32 s7, s2  }
0x1e: {  	s7 =	smul.u32 @!p0 $0xF7A, s2;
	p2 =	seq.s32 @!p0 s5, $0x0  }
0x1f: {  	s9 =	smul.u32 $0xF7A, s1;
	s8 =	simm.s32 @!p0 $0x1BF5;
	p2 =	por !p2, p0  }
0x20: {  	[sflag:s8] =	ssyncset.s32 @!p0 $0xFFFFF086;
	s6 =	sadd.s32 @!p0 s3, s7;
	s7 =	simm.s32 @!p0 $0x108  }
0x21: {  	s3 =	sadd.s32 s3, s9;
	s6 =	sadd.s32 @!p0 $0x88, s6;
	s7 =	simm.s32 @p2 $0x1082  }
0x22: {  	[simem:s7], [sflag:s8] =	dma.local @!p0 [hbm:s6], $0xF7A  }
0x23: {  	s9 =	sor.u32 $0xD0000000, s2;
	s6 =	simm.s32 $0x108;
	_ =	swait.ge @!p0 [sflag:s8], $0x0  }
0x24: {  	s3 =	sadd.s32 $0x88, s3;
	s6 =	simm.s32 @!p1 $0x1082;
	[sflag:s4] =	ssyncset.s32 $0xFFFFF086  }
0x25: {  	[simem:s6], [sflag:s4] =	dma.local [hbm:s3], $0xF7A  }
0x26: {  	[smem:$0x3F91] =	sst s1;
	(tag) =	ssettag s2;
	_ =	strace s9  }
0x27: {  	s1 =	sld [smem:$0x3FA1]  }
0x28: {  	s2 =	sld [smem:$0x3FA2]  }
0x29: {  	s4 =	sld [smem:$0x3FA4]  }
0x2a: {  	p0 =	seq.s32 s5, $0x0;
	s5 =	sld [smem:$0x3FA5]  }
0x2b: {  	s6 =	sld [smem:$0x3FA6]  }
0x2c: {  	s7 =	sld [smem:$0x3FA7]  }
0x2d: {  	s3 =	simm.s32 $0x108;
	s8 =	sld [smem:$0x3FA8]  }
0x2e: {  	s3 =	simm.s32 @!p0 $0x1082;
	s9 =	sld [smem:$0x3FA9]  }
0x2f: {  	lr =	sadd.s32 s0, s3;
	s0 =	sld [smem:$0x3FA0]  }
0x30: {  	s3 =	sld [smem:$0x3FA3]  }
0x31: {  	[smem:$0x3FAC] =	sst s10  }
0x32: {  	s10 =	sld [smem:$0x3FAA];
	_ =	sdelay $0x3  }
0x33: {  	p0 =	seq.s32 s10, $0x1;
	s10 =	sld [smem:$0x3FAC];
	_ =	sdelay $0x3  }
0x34: {  	[smem:$0x3FAC] =	sst s10  }
0x35: {  	s10 =	sld [smem:$0x3FAB];
	_ =	sdelay $0x3  }
0x36: {  	p1 =	seq.s32 s10, $0x1;
	s10 =	sld [smem:$0x3FAC];
	_ =	sdelay $0x3  }
0x37: {  	[smem:$0x3FAC] =	sst s10  }
0x38: {  	s10 =	sld [smem:$0x3FAD]  }
0x39: {  	_ = 	snop;
	(pc) =	sbr.ind lr, $3  }
0x3a: {  	_ = 	snop  }
0x3b: {  	_ = 	snop  }
0x3c: {  	p2 =	seq.s32 s10, $0x1;
	s10 =	sld [smem:$0x3FAC]  }
0x3d: {  	_ =	shalt  }
0x3e: {  	_ =	shalt  }
0x3f: {  	_ =	shalt  }
0x40: {  	_ =	shalt  }
0x41: {  	_ =	shalt  }
0x42: {  	_ =	shalt  }
0x43: {  	_ =	shalt  }
0x44: {  	_ =	shalt  }
0x45: {  	_ =	shalt  }
0x46: {  	_ =	shalt  }
0x47: {  	_ =	shalt  }
0x48: {  	_ =	shalt  }
0x49: {  	_ =	shalt  }
0x4a: {  	_ =	shalt  }
0x4b: {  	_ =	shalt  }
0x4c: {  	_ =	shalt  }
0x4d: {  	_ =	shalt  }
0x4e: {  	_ =	shalt  }
0x4f: {  	_ =	shalt  }
0x50: {  	_ =	shalt  }
0x51: {  	_ =	shalt  }
0x52: {  	_ =	shalt  }
0x53: {  	_ =	shalt  }
0x54: {  	_ =	shalt  }
0x55: {  	_ =	shalt  }
0x56: {  	_ =	shalt  }
0x57: {  	_ =	shalt  }
0x58: {  	_ =	shalt  }
0x59: {  	_ =	shalt  }
0x5a: {  	_ =	shalt  }
0x5b: {  	_ =	shalt  }
0x5c: {  	_ =	shalt  }
0x5d: {  	_ =	shalt  }
0x5e: {  	_ =	shalt  }
0x5f: {  	_ =	shalt  }
0x60: {  	_ =	shalt  }
0x61: {  	_ =	shalt  }
0x62: {  	_ =	shalt  }
0x63: {  	_ =	shalt  }
0x64: {  	_ =	shalt  }
0x65: {  	_ =	shalt  }
0x66: {  	_ =	shalt  }
0x67: {  	_ =	shalt  }
0x68: {  	_ =	shalt  }
0x69: {  	_ =	shalt  }
0x6a: {  	_ =	shalt  }
0x6b: {  	_ =	shalt  }
0x6c: {  	_ =	shalt  }
0x6d: {  	_ =	shalt  }
0x6e: {  	_ =	shalt  }
0x6f: {  	_ =	shalt  }
0x70: {  	_ =	shalt  }
0x71: {  	_ =	shalt  }
0x72: {  	_ =	shalt  }
0x73: {  	_ =	shalt  }
0x74: {  	_ =	shalt  }
0x75: {  	_ =	shalt  }
0x76: {  	_ =	shalt  }
0x77: {  	_ =	shalt  }
0x78: {  	_ =	shalt  }
0x79: {  	_ =	shalt  }
0x7a: {  	_ =	shalt  }
0x7b: {  	_ =	shalt  }
0x7c: {  	_ =	shalt  }
0x7d: {  	_ =	shalt  }
0x7e: {  	_ =	shalt  }
0x7f: {  	_ =	shalt  }
0x80: {  	_ =	shalt  }
0x81: {  	_ =	shalt  }
0x82: {  	_ =	shalt  }
0x83: {  	_ =	shalt  }
0x84: {  	_ =	shalt  }
0x85: {  	_ =	shalt  }
0x86: {  	_ =	shalt  }
0x87: {  	_ =	shalt  }
.Lfunc_end0:
.L_simem_size_0:
called_computation.1_lowered:
.L_overlay_start_0:
0x88: {  	s2 =	sld [smem:$0x3FD9]  }
0x89: {  	s3 =	sld [smem:$0x3FFE];
	_ =	sdelay $0x1  }
0x8a: {  	s1 =	srdreg.scid  }
0x8b: {  	s0 =	sand.u32 $0x1, s1  }
0x8c: {  	s16 =	sshll.u32 s0, $0xA;
	s2 =	sadd.s32 s3, s2  }
0x8d: {  	s2 =	sadd.s32 s2, s16  }
0x8e: {  	[smem:$0x3FB8] =	sst s2  }
0x8f: {  	_ = 	snop  }
0x90: {  	(tm) =	ssettm $0x1  }
0x91: {  	s17 =	sld [smem:$0x3FFB];
	_ =	sdelay $0x3  }
0x92: {  	_ =	strace s17  }
0x93: {  	s2 =	sld [smem:$0x3FFC];
	_ =	sdelay $0x3  }
0x94: {  	_ =	strace s2  }
0x95: {  	s2 =	sld [smem:$0x3FFD];
	_ =	sdelay $0x3  }
0x96: {  	_ =	strace s2  }
0x97: {  	_ =	strace $0x8FFFFFFF  }
0x98: {  	s18 =	sld [smem:$0x3FDB];
	_ =	sdelay $0x1  }
0x99: {  	s19 =	simm.s32 $_scs_section_size  }
0x9a: {  	s4 =	simm.s32 $_size__tile_overlayer_lowered;
	s5 =	simm.s32 $_tile_overlayer_lowered  }
0x9b: {  	s22 =	simm.s32 $0x1BFF;
	s21 =	sshll.u32 s5, $0x1;
	s2 =	sadd.s32 s19, s18  }
0x9c: {  	s6 =	simm.s32 $0x0;
	s20 =	sshll.u32 s4, $0x1;
	s4 =	sadd.s32 s21, s2  }
0x9d: {  	[timem:s6], [sflag:s22] =	dma.local [hbm:s4], s20  }
0x9e: {  	_ =	swait.ge [sflag:s22], s20  }
0x9f: {  	s3 =	ssub.s32 $0x0, s20;
	[sflag:s22] =	ssyncset.done $0x0  }
0xa0: {  	[sflag:s22] =	ssyncadd.s32 s3;
	_ =	sdelay $0x1  }
0xa1: {  	s23 =	simm.s32 $0x1B8B  }
0xa2: {  	_ =	swait.ge [sflag:s23], $0x1  }
0xa3: {  	[sflag:s23] =	ssyncset.done $0x0  }
0xa4: {  	s25 =	simm.s32 $0x1B8E;
	s24 =	sld [smem:$0x3FFE];
	[sflag:s23] =	ssyncadd.s32 $0xFFFFFFFF  }
0xa5: {  	s26 =	simm.s32 $execute0_lowered;
	[smem:$0x3FD2] =	sst s25  }
0xa6: {  	s4 =	sshll.u32 s26, $0x1;
	_ =	strace $0x80000049;
	[dreg:$0x1] =	wrdreg $0xFFFFFFFF  }
0xa7: {  	s28 =	simm.s32 $_size_execute0_lowered;
	s2 =	sadd.s32 s2, s4;
	[dreg:$0x0] =	wrdreg $0x0  }
0xa8: {  	s4 =	sshll.u32 s28, $0x1;
	[dreg:$0x2] =	wrdreg s2  }
0xa9: {  	[dreg:$0x3] =	wrdreg s4  }
0xaa: {  	[dreg:$0x4] =	wrdreg $0xC0  }
0xab: {  	_ =	task [dreg:s6], $0x5FFFF  }
0xac: {  	[dreg:$0x1] =	wrdreg $0xFFFFFFFF  }
0xad: {  	[dreg:$0x0] =	wrdreg $0x60  }
0xae: {  	[dreg:$0x2] =	wrdreg s24  }
0xaf: {  	[dreg:$0x3] =	wrdreg $0x102200  }
0xb0: {  	[dreg:$0x4] =	wrdreg $0x9  }
0xb1: {  	_ =	task.clear_ibuf [dreg:s6], $0x5FFFF;
	_ =	strace $0x90000049  }
0xb2: {  	s29 =	simm.s32 $0x9;
	_ =	strace $0x8000004B  }
0xb3: {  	_ =	swait.ge [sflag:s29], $0x1  }
0xb4: {  	[sflag:s29] =	ssyncadd.s32 $0xFFFFFFFF  }
0xb5: {  	_ =	strace $0x9000004B  }
0xb6: {  	_ =	sfence  }
0xb7: {  	s30 =	sld [smem:$0x0];
	_ =	sdelay $0x2  }
0xb8: {  	s31 =	sshll.u32 s1, $0xD;
	s1 =	sshrl.u32 s1, $0x2  }
0xb9: {  	s3 =	sand.u32 $0x4000, s31;
	s1 =	sadd.s32 s1, s30  }
0xba: {  	s0 =	sor.u32 s3, s0;
	s1 =	sshll.u32 s1, $0x11  }
0xbb: {  	s0 =	sor.u32 s1, s0  }
0xbc: {  	s0 =	sadd.s32 $0x8F2B, s0  }
0xbd: {  	[sflag:s0] =	ssyncadd.remote.s32 $0x1  }
0xbe: {  	_ =	sfence.sel $0xFFFF  }
0xbf: {  	[dreg:$0x0] =	wrdreg $0xFFFFFFFF;
	(pc) =	sbr.abs _section_cstart, $3  }
0xc0: {  	[dreg:$0x1] =	wrdreg $0xFFFFFFFF  }
0xc1: {  	_ =	task.clear_ibuf [dreg:s6], $0x2FFFF;
	_ =	strace $0x9FFFFFFF  }
0xc2: {  	(tm) =	ssettm $0x7FFFFFFF  }
0xc3: {  	_ =	shalt  }
tec
execute0_lowered:
.L_overlay_start_1:
0x0: {  	(tag) =	ssettag $0x1  }
0x1: {  	s5 =	rddreg [dreg:$0x0]  }
0x2: {  	s2 =	rddreg [dreg:$0x1]  }
0x3: {  	s0 =	rddreg [dreg:$0x2]  }
0x4: {  	s4 =	srdreg.scid;
	s1 =	stileid.u32;
	s3 =	simm.s32 $0x0  }
0x5: {  	s12 =	simm.s32 $0xB220;
	s13 =	simm.s32 $0x190;
	s14 =	simm.s32 $0x4E20  }
0x6: {  	s15 =	simm.s32 $0x8020;
	s16 =	simm.s32 $0x1;
	s17 =	simm.s32 $0x2  }
0x7: {  	s18 =	simm.s32 $0x4C90;
	s6 =	sand.u32 $0x1, s4;
	s30 =	sshll.u32 s1, $0x1  }
0x8: {  	[smem:$0x7FF] =	sst s3;
	s10 =	smul.u32 $0xA000, s1;
	s4 =	sor.u32 s6, s30  }
0x9: {  	_ =	strace $0x8000004A;
	s8 =	smul.u32 $0xA000, s6;
	s6 =	ssub.s32 $0x2, s6  }
0xa: {  	s7 =	smul.u32 $0x4E2, s4;
	s4 =	sadd.s32 $0x16400, s5;
	s9 =	sshrl.u32 s6, $0x1  }
0xb: {  	s19 =	sshrl.u32 s10, $0x4;
	s31 =	sshrl.u32 s10, $0x1;
	s10 =	simm.s32 $0x3  }
0xc: {  	s11 =	sadd.s32 s8, s5;
	s9 =	ssub.s32 s6, s9;
	s8 =	sadd.s32 s31, s2  }
0xd: {  	s7 =	sadd.s32 s7, s5;
	s20 =	sadd.s32 $0x20400, s11;
	s9 =	smax.u32 s9, $0x1  }
0xe: {  	s11 =	simm.s32 $0x2710;
	s5 =	sadd.s32 $0x2800, s7;
	s6 =	sadd.s32 $0xC600, s7  }
0xf: {  	s7 =	sadd.s32 s4, s19;
	s19 =	sadd.s32 s19, s20;
	s20 =	simm.s32 $0x0  }
.LBB2_1:
0x10: {  	[tilespmem:s3], [sflag:$0x3] =	stream.linear.gather [hbm4b:s5+s3], $0x2710, $0x38;
	[tilespmem:$0x15220] =	vst v63  }
0x11: {  	_ =	swait.ge [sflag:s10], $0x2710  }
0x12: {  	[sflag:s10] =	ssyncset.done $0x0  }
0x13: {  	[sflag:s10] =	ssyncadd.s32 $0xFFFFD8F0  }
0x14: {  	[tilespmem:s11], [sflag:$0x3] =	stream.linear.gather [hbm4b:s6+s3], $0x2710, $0x38;
	[tilespmem:$0x15220] =	vst v63  }
0x15: {  	_ =	swait.ge [sflag:s10], $0x2710  }
0x16: {  	[sflag:s10] =	ssyncset.done $0x0  }
0x17: {  	[sflag:s10] =	ssyncadd.s32 $0xFFFFD8F0  }
0x18: {  	[tilespmem:s12], [sflag:$0x3] =	stream.linear.gather [hbm4b:s7+s3], $0x5000, $0x38;
	[tilespmem:$0x15220] =	vst v63  }
0x19: {  	_ =	swait.ge [sflag:s10], $0x5000  }
0x1a: {  	[sflag:s10] =	ssyncset.done $0x0  }
0x1b: {  	[sflag:s10] =	ssyncadd.s32 $0xFFFFB000  }
0x1c: {  	[spmem:s8] =	stream.linear.scatter [tilespmem:s12], [sflag:$0x3], $0x5000, $0x38;
	[tilespmem:$0x15220] =	vst v63  }
0x1d: {  	_ =	swait.ge [sflag:s10], $0x5000  }
0x1e: {  	[sflag:s10] =	ssyncset.done $0x0  }
0x1f: {  	[sflag:s10] =	ssyncadd.s32 $0xFFFFB000  }
0x20: {  	[bflag:$0x0] =	sbarrier.arrive $0xFFFF  }
0x21: {  	[tilespmem:s14], [sflag:$0x1] =	stream.indirect.gather [hbm4b:s4+s13], $0x20, s3, s13, $0xb8;
	[tilespmem:$0x15220] =	vst v63  }
0x22: {  	s21 =	simm.s32 $0x190  }
0x23: {  	[tilespmem:s15], [sflag:$0x2] =	stream.indirect.gather [hbm4b:s4+s13], $0x20, s21, s13, $0xb8;
	[tilespmem:$0x15220] =	vst v63  }
0x24: {  	_ =	swait.ge [sflag:s16], $0x3200  }
0x25: {  	[sflag:s16] =	ssyncset.done $0x0  }
0x26: {  	s29 =	simm.s32 $0x2710;
	[sflag:s16] =	ssyncadd.s32 $0xFFFFCE00  }
0x27: {  	[spmem:s2] =	stream.indirect.scatter.add.bf16 [tilespmem:s14], [sflag:$0x3], $0x20, s29, s13, $0xb8;
	[tilespmem:$0x15220] =	vst v63  }
0x28: {  	_ =	swait.ge [sflag:s10], $0x3200  }
0x29: {  	[sflag:s10] =	ssyncset.done $0x0  }
0x2a: {  	s30 =	simm.s32 $0x320;
	[sflag:s10] =	ssyncadd.s32 $0xFFFFCE00  }
0x2b: {  	[tilespmem:s14], [sflag:$0x1] =	stream.indirect.gather [hbm4b:s4+s13], $0x20, s30, s13, $0xb8;
	[tilespmem:$0x15220] =	vst v63  }
0x2c: {  	_ =	swait.ge [sflag:s17], $0x3200  }
0x2d: {  	[sflag:s17] =	ssyncset.done $0x0  }
0x2e: {  	s31 =	simm.s32 $0x28A0;
	[sflag:s17] =	ssyncadd.s32 $0xFFFFCE00  }
0x2f: {  	[spmem:s2] =	stream.indirect.scatter.add.bf16 [tilespmem:s15], [sflag:$0x3], $0x20, s31, s13, $0xb8;
	[tilespmem:$0x15220] =	vst v63  }
0x30: {  	_ =	swait.ge [sflag:s10], $0x3200  }
0x31: {  	s22 =	simm.s32 $0x1900;
	s21 =	simm.s32 $0x320;
	[sflag:s10] =	ssyncset.done $0x0  }
.LBB2_2:
0x32: {  	s23 =	sadd.s32 $0x190, s21  }
0x33: {  	[sflag:s10] =	ssyncadd.s32 $0xFFFFCE00;
	s24 =	smov.u32 s22;
	s25 =	sadd.s32 $0xC80, s22  }
0x34: {  	[tilespmem:s15], [sflag:$0x2] =	stream.indirect.gather [hbm4b:s4+s13], $0x20, s23, s13, $0xb8;
	[tilespmem:$0x15220] =	vst v63  }
0x35: {  	p0 =	sne.s32 s22, $0x8980;
	_ =	swait.ge [sflag:s16], $0x3200  }
0x36: {  	[sflag:s16] =	ssyncset.done $0x0  }
0x37: {  	s22 =	sadd.s32 $0x2710, s21;
	[sflag:s16] =	ssyncadd.s32 $0xFFFFCE00  }
0x38: {  	[spmem:s2] =	stream.indirect.scatter.add.bf16 [tilespmem:s14], [sflag:$0x3], $0x20, s22, s13, $0xb8;
	[tilespmem:$0x15220] =	vst v63  }
0x39: {  	_ =	swait.ge [sflag:s10], $0x3200  }
0x3a: {  	[sflag:s10] =	ssyncset.done $0x0  }
0x3b: {  	s22 =	sadd.s32 $0x320, s21;
	[sflag:s10] =	ssyncadd.s32 $0xFFFFCE00  }
0x3c: {  	[tilespmem:s14], [sflag:$0x1] =	stream.indirect.gather [hbm4b:s4+s13], $0x20, s22, s13, $0xb8;
	[tilespmem:$0x15220] =	vst v63  }
0x3d: {  	_ =	swait.ge [sflag:s17], $0x3200  }
.Ltmp0:
0x3e: {  	[sflag:s17] =	ssyncset.done $0x0;
	(pc) =	sbr.rel @p0 .LBB2_2-.Ltmp0, $4  }
0x3f: {  	s21 =	sadd.s32 $0x28A0, s21;
	[sflag:s17] =	ssyncadd.s32 $0xFFFFCE00  }
0x40: {  	[spmem:s2] =	stream.indirect.scatter.add.bf16 [tilespmem:s15], [sflag:$0x3], $0x20, s21, s13, $0xb8;
	[tilespmem:$0x15220] =	vst v63  }
0x41: {  	_ =	swait.ge [sflag:s10], $0x3200  }
0x42: {  	s22 =	smov.u32 s25;
	s21 =	sshra.s32 s24, $0x2;
	[sflag:s10] =	ssyncset.done $0x0  }
0x43: {  	s22 =	sadd.s32 $0x190, s21;
	[sflag:s10] =	ssyncadd.s32 $0xFFFFCE00  }
0x44: {  	[tilespmem:s15], [sflag:$0x2] =	stream.indirect.gather [hbm4b:s4+s13], $0x20, s22, s13, $0xb8;
	[tilespmem:$0x15220] =	vst v63  }
0x45: {  	_ =	swait.ge [sflag:s16], $0x3200  }
0x46: {  	[sflag:s16] =	ssyncset.done $0x0  }
0x47: {  	s29 =	sadd.s32 $0x2710, s21;
	[sflag:s16] =	ssyncadd.s32 $0xFFFFCE00  }
0x48: {  	[spmem:s2] =	stream.indirect.scatter.add.bf16 [tilespmem:s14], [sflag:$0x3], $0x20, s29, s13, $0xb8;
	[tilespmem:$0x15220] =	vst v63  }
0x49: {  	_ =	swait.ge [sflag:s10], $0x3200  }
0x4a: {  	[sflag:s10] =	ssyncset.done $0x0  }
0x4b: {  	s30 =	sadd.s32 $0x320, s21;
	[sflag:s10] =	ssyncadd.s32 $0xFFFFCE00  }
0x4c: {  	[tilespmem:s14], [sflag:$0x1] =	stream.indirect.gather [hbm4b:s4+s13], $0x20, s30, s13, $0xb8;
	[tilespmem:$0x15220] =	vst v63  }
0x4d: {  	_ =	swait.ge [sflag:s17], $0x3200  }
0x4e: {  	[sflag:s17] =	ssyncset.done $0x0  }
0x4f: {  	s31 =	sadd.s32 $0x28A0, s21;
	[sflag:s17] =	ssyncadd.s32 $0xFFFFCE00  }
0x50: {  	[spmem:s2] =	stream.indirect.scatter.add.bf16 [tilespmem:s15], [sflag:$0x3], $0x20, s31, s13, $0xb8;
	[tilespmem:$0x15220] =	vst v63  }
0x51: {  	_ =	swait.ge [sflag:s10], $0x3200  }
0x52: {  	[sflag:s10] =	ssyncset.done $0x0  }
0x53: {  	[sflag:s10] =	ssyncadd.s32 $0xFFFFCE00  }
0x54: {  	_ =	swait.ge [sflag:s16], $0x3200  }
0x55: {  	[sflag:s16] =	ssyncset.done $0x0  }
0x56: {  	[sflag:s16] =	ssyncadd.s32 $0xFFFFCE00  }
0x57: {  	[spmem:s2] =	stream.indirect.scatter.add.bf16 [tilespmem:s14], [sflag:$0x3], $0x20, s18, s13, $0xb8;
	[tilespmem:$0x15220] =	vst v63  }
0x58: {  	_ =	swait.ge [sflag:s10], $0x3200  }
0x59: {  	[sflag:s10] =	ssyncset.done $0x0  }
0x5a: {  	[sflag:s10] =	ssyncadd.s32 $0xFFFFCE00  }
0x5b: {  	[bflag:$0x0] =	sbarrier.arrive $0xFFFF  }
0x5c: {  	[tilespmem:s12], [sflag:$0x3] =	stream.linear.gather [spmem:s8], $0x5000, $0x38;
	[tilespmem:$0x15220] =	vst v63  }
0x5d: {  	s20 =	sadd.s32 $0x1, s20;
	_ =	swait.ge [sflag:s10], $0x5000  }
0x5e: {  	p0 =	sne.s32 s20, s9;
	[sflag:s10] =	ssyncset.done $0x0  }
.Ltmp1:
0x5f: {  	[sflag:s10] =	ssyncadd.s32 $0xFFFFB000;
	(pc) =	sbr.rel @p0 .LBB2_1-.Ltmp1, $4  }
0x60: {  	[hbm4b:s19+s3] =	stream.linear.scatter [tilespmem:s12], [sflag:$0x3], $0x5000, $0x38;
	[tilespmem:$0x15220] =	vst v63  }
0x61: {  	_ =	swait.ge [sflag:s10], $0x5000  }
0x62: {  	[sflag:s10] =	ssyncset.done $0x0  }
0x63: {  	[sflag:s10] =	ssyncadd.s32 $0xFFFFB000  }
0x64: {  	_ =	sfence.sel $0x180000  }
0x65: {  	[bflag:$0x0] =	sbarrier.arrive $0xFFFF  }
0x66: {  	p0 =	sne.s32 s1, $0x0;
	_ =	strace $0x9000004A  }
0x67: {  	s0 =	sadd.s32 @!p0 $0x100000, s0;
	[bflag:$0x2] =	sbarrier.arrive $0xFFFF  }
0x68: {  	[sflag:s0] =	ssyncadd.tile.s32 @!p0 $0x1;
	_ =	shalt  }
.Lfunc_end2:
_tile_overlayer_lowered:
.L_overlay_start_2:
0x69: {  	(tag) =	ssettag $0x2  }
0x6a: {  	s0 =	rddreg [dreg:$0x0];
	s2 =	stileid.u32  }
0x6b: {  	s1 =	rddreg [dreg:$0x1];
	p0 =	sne.s32 s2, $0x0  }
0x6c: {  	s3 =	rddreg [dreg:$0x2];
	[bflag:$0x3] =	sbarrier.arrive $0xFFFF;
	s2 =	simm.s32 @!p0 $0x1C03  }
0x6d: {  	[timem:s3], [sflag:s2] =	dma.local @!p0 [hbm:s0], s1  }
0x6e: {  	s0 =	simm.s32 @!p0 $0x3  }
0x6f: {  	_ =	swait.ge @!p0 [sflag:s0], s1  }
0x70: {  	s1 =	ssub.s32 @!p0 $0x0, s1;
	[sflag:s0] =	ssyncset.done @!p0 $0x0  }
0x71: {  	[sflag:s0] =	ssyncadd.s32 @!p0 s1  }
0x72: {  	[bflag:$0x3] =	sbarrier.arrive $0xFFFF  }
0x73: {  	_ =	shalt  }

// kernel: kernel.14.cloned.1.call-start
scs
__scs_entry_jumppad:
0x0: {  	(pc) =	sbr.rel $0x88, $3  }
0x1: {  	(tag) =	ssettag $0x0;
	lr =	simm.s32 $0x1  }
0x2: {  	[smem:$0x3F91] =	sst lr;
	_ =	strace $0xD0000000  }
0x3: {  	_ = 	snop  }
0x4: {  	_ = 	snop  }
0x5: {  	_ = 	snop  }
0x6: {  	_ = 	snop  }
0x7: {  	_ = 	snop  }
__scs_overlays_trampoline_lowered:
0x8: {  	[smem:$0x3FA0] =	sst s0  }
0x9: {  	[smem:$0x3FA1] =	sst s1  }
0xa: {  	[smem:$0x3FA2] =	sst s2  }
0xb: {  	[smem:$0x3FA3] =	sst s3  }
0xc: {  	[smem:$0x3FA4] =	sst s4  }
0xd: {  	[smem:$0x3FA5] =	sst s5  }
0xe: {  	[smem:$0x3FA6] =	sst s6  }
0xf: {  	[smem:$0x3FA7] =	sst s7  }
0x10: {  	[smem:$0x3FA8] =	sst s8  }
0x11: {  	[smem:$0x3FA9] =	sst s9;
	s0 =	simm.s32 @!p0 $0x0  }
0x12: {  	s1 =	sld [smem:$0x3F8F];
	s0 =	simm.s32 @p0 $0x1  }
0x13: {  	[smem:$0x3FAA] =	sst s0;
	s0 =	simm.s32 @!p1 $0x0  }
0x14: {  	s2 =	sld [smem:$0x3F8E];
	s0 =	simm.s32 @p1 $0x1  }
0x15: {  	[smem:$0x3FAB] =	sst s0;
	s0 =	simm.s32 @!p2 $0x0  }
0x16: {  	s3 =	sld [smem:$0x3FDB];
	s0 =	simm.s32 @p2 $0x1  }
0x17: {  	s4 =	simm.s32 $0x1BF5;
	[smem:$0x3FAD] =	sst s0  }
0x18: {  	s0 =	sld [smem:$0x3F90];
	_ =	swait.ge [sflag:s4], $0x0  }
0x19: {  	s7 =	sld [smem:$0x3F91]  }
0x1a: {  	s8 =	sadd.s32 $0xFFFFE003, lr  }
0x1b: {  	s9 =	sadd.s32 $0xFFFFFEF7, lr;
	s5 =	simm.s32 $0xFFFFFFFF;
	p2 =	slt.u32 s8, $0xFFFFF086  }
0x1c: {  	p1 =	slt.u32 s9, $0xF7A;
	s5 =	simm.s32 @!p2 $0x0  }
0x1d: {  	s5 =	simm.s32 @p1 $0x1;
	p0 =	seq.s32 s7, s2  }
0x1e: {  	s7 =	smul.u32 @!p0 $0xF7A, s2;
	p2 =	seq.s32 @!p0 s5, $0x0  }
0x1f: {  	s9 =	smul.u32 $0xF7A, s1;
	s8 =	simm.s32 @!p0 $0x1BF5;
	p2 =	por !p2, p0  }
0x20: {  	[sflag:s8] =	ssyncset.s32 @!p0 $0xFFFFF086;
	s6 =	sadd.s32 @!p0 s3, s7;
	s7 =	simm.s32 @!p0 $0x108  }
0x21: {  	s3 =	sadd.s32 s3, s9;
	s6 =	sadd.s32 @!p0 $0x88, s6;
	s7 =	simm.s32 @p2 $0x1082  }
0x22: {  	[simem:s7], [sflag:s8] =	dma.local @!p0 [hbm:s6], $0xF7A  }
0x23: {  	s9 =	sor.u32 $0xD0000000, s2;
	s6 =	simm.s32 $0x108;
	_ =	swait.ge @!p0 [sflag:s8], $0x0  }
0x24: {  	s3 =	sadd.s32 $0x88, s3;
	s6 =	simm.s32 @!p1 $0x1082;
	[sflag:s4] =	ssyncset.s32 $0xFFFFF086  }
0x25: {  	[simem:s6], [sflag:s4] =	dma.local [hbm:s3], $0xF7A  }
0x26: {  	[smem:$0x3F91] =	sst s1;
	(tag) =	ssettag s2;
	_ =	strace s9  }
0x27: {  	s1 =	sld [smem:$0x3FA1]  }
0x28: {  	s2 =	sld [smem:$0x3FA2]  }
0x29: {  	s4 =	sld [smem:$0x3FA4]  }
0x2a: {  	p0 =	seq.s32 s5, $0x0;
	s5 =	sld [smem:$0x3FA5]  }
0x2b: {  	s6 =	sld [smem:$0x3FA6]  }
0x2c: {  	s7 =	sld [smem:$0x3FA7]  }
0x2d: {  	s3 =	simm.s32 $0x108;
	s8 =	sld [smem:$0x3FA8]  }
0x2e: {  	s3 =	simm.s32 @!p0 $0x1082;
	s9 =	sld [smem:$0x3FA9]  }
0x2f: {  	lr =	sadd.s32 s0, s3;
	s0 =	sld [smem:$0x3FA0]  }
0x30: {  	s3 =	sld [smem:$0x3FA3]  }
0x31: {  	[smem:$0x3FAC] =	sst s10  }
0x32: {  	s10 =	sld [smem:$0x3FAA];
	_ =	sdelay $0x3  }
0x33: {  	p0 =	seq.s32 s10, $0x1;
	s10 =	sld [smem:$0x3FAC];
	_ =	sdelay $0x3  }
0x34: {  	[smem:$0x3FAC] =	sst s10  }
0x35: {  	s10 =	sld [smem:$0x3FAB];
	_ =	sdelay $0x3  }
0x36: {  	p1 =	seq.s32 s10, $0x1;
	s10 =	sld [smem:$0x3FAC];
	_ =	sdelay $0x3  }
0x37: {  	[smem:$0x3FAC] =	sst s10  }
0x38: {  	s10 =	sld [smem:$0x3FAD]  }
0x39: {  	_ = 	snop;
	(pc) =	sbr.ind lr, $3  }
0x3a: {  	_ = 	snop  }
0x3b: {  	_ = 	snop  }
0x3c: {  	p2 =	seq.s32 s10, $0x1;
	s10 =	sld [smem:$0x3FAC]  }
0x3d: {  	_ =	shalt  }
0x3e: {  	_ =	shalt  }
0x3f: {  	_ =	shalt  }
0x40: {  	_ =	shalt  }
0x41: {  	_ =	shalt  }
0x42: {  	_ =	shalt  }
0x43: {  	_ =	shalt  }
0x44: {  	_ =	shalt  }
0x45: {  	_ =	shalt  }
0x46: {  	_ =	shalt  }
0x47: {  	_ =	shalt  }
0x48: {  	_ =	shalt  }
0x49: {  	_ =	shalt  }
0x4a: {  	_ =	shalt  }
0x4b: {  	_ =	shalt  }
0x4c: {  	_ =	shalt  }
0x4d: {  	_ =	shalt  }
0x4e: {  	_ =	shalt  }
0x4f: {  	_ =	shalt  }
0x50: {  	_ =	shalt  }
0x51: {  	_ =	shalt  }
0x52: {  	_ =	shalt  }
0x53: {  	_ =	shalt  }
0x54: {  	_ =	shalt  }
0x55: {  	_ =	shalt  }
0x56: {  	_ =	shalt  }
0x57: {  	_ =	shalt  }
0x58: {  	_ =	shalt  }
0x59: {  	_ =	shalt  }
0x5a: {  	_ =	shalt  }
0x5b: {  	_ =	shalt  }
0x5c: {  	_ =	shalt  }
0x5d: {  	_ =	shalt  }
0x5e: {  	_ =	shalt  }
0x5f: {  	_ =	shalt  }
0x60: {  	_ =	shalt  }
0x61: {  	_ =	shalt  }
0x62: {  	_ =	shalt  }
0x63: {  	_ =	shalt  }
0x64: {  	_ =	shalt  }
0x65: {  	_ =	shalt  }
0x66: {  	_ =	shalt  }
0x67: {  	_ =	shalt  }
0x68: {  	_ =	shalt  }
0x69: {  	_ =	shalt  }
0x6a: {  	_ =	shalt  }
0x6b: {  	_ =	shalt  }
0x6c: {  	_ =	shalt  }
0x6d: {  	_ =	shalt  }
0x6e: {  	_ =	shalt  }
0x6f: {  	_ =	shalt  }
0x70: {  	_ =	shalt  }
0x71: {  	_ =	shalt  }
0x72: {  	_ =	shalt  }
0x73: {  	_ =	shalt  }
0x74: {  	_ =	shalt  }
0x75: {  	_ =	shalt  }
0x76: {  	_ =	shalt  }
0x77: {  	_ =	shalt  }
0x78: {  	_ =	shalt  }
0x79: {  	_ =	shalt  }
0x7a: {  	_ =	shalt  }
0x7b: {  	_ =	shalt  }
0x7c: {  	_ =	shalt  }
0x7d: {  	_ =	shalt  }
0x7e: {  	_ =	shalt  }
0x7f: {  	_ =	shalt  }
0x80: {  	_ =	shalt  }
0x81: {  	_ =	shalt  }
0x82: {  	_ =	shalt  }
0x83: {  	_ =	shalt  }
0x84: {  	_ =	shalt  }
0x85: {  	_ =	shalt  }
0x86: {  	_ =	shalt  }
0x87: {  	_ =	shalt  }
.Lfunc_end0:
.L_simem_size_0:
called_computation.2_lowered:
.L_overlay_start_0:
0x88: {  	s2 =	sld [smem:$0x3FD9]  }
0x89: {  	s3 =	sld [smem:$0x3FFE];
	_ =	sdelay $0x1  }
0x8a: {  	s1 =	srdreg.scid  }
0x8b: {  	s0 =	sand.u32 $0x1, s1  }
0x8c: {  	s16 =	sshll.u32 s0, $0xA;
	s2 =	sadd.s32 s3, s2  }
0x8d: {  	s2 =	sadd.s32 s2, s16  }
0x8e: {  	[smem:$0x3FB8] =	sst s2  }
0x8f: {  	_ = 	snop  }
0x90: {  	(tm) =	ssettm $0x1  }
0x91: {  	s17 =	sld [smem:$0x3FFB];
	_ =	sdelay $0x3  }
0x92: {  	_ =	strace s17  }
0x93: {  	s2 =	sld [smem:$0x3FFC];
	_ =	sdelay $0x3  }
0x94: {  	_ =	strace s2  }
0x95: {  	s2 =	sld [smem:$0x3FFD];
	_ =	sdelay $0x3  }
0x96: {  	_ =	strace s2  }
0x97: {  	_ =	strace $0x8FFFFFFF  }
0x98: {  	s18 =	sld [smem:$0x3FDB];
	_ =	sdelay $0x1  }
0x99: {  	s19 =	simm.s32 $_scs_section_size  }
0x9a: {  	s4 =	simm.s32 $_size__tile_overlayer_lowered;
	s5 =	simm.s32 $_tile_overlayer_lowered  }
0x9b: {  	s22 =	simm.s32 $0x1BFF;
	s21 =	sshll.u32 s5, $0x1;
	s2 =	sadd.s32 s19, s18  }
0x9c: {  	s6 =	simm.s32 $0x0;
	s20 =	sshll.u32 s4, $0x1;
	s4 =	sadd.s32 s21, s2  }
0x9d: {  	[timem:s6], [sflag:s22] =	dma.local [hbm:s4], s20  }
0x9e: {  	_ =	swait.ge [sflag:s22], s20  }
0x9f: {  	s3 =	ssub.s32 $0x0, s20;
	[sflag:s22] =	ssyncset.done $0x0  }
0xa0: {  	[sflag:s22] =	ssyncadd.s32 s3;
	_ =	sdelay $0x1  }
0xa1: {  	s23 =	simm.s32 $0x1B8B  }
0xa2: {  	_ =	swait.ge [sflag:s23], $0x1  }
0xa3: {  	[sflag:s23] =	ssyncset.done $0x0  }
0xa4: {  	s25 =	simm.s32 $0x1B8E;
	s24 =	sld [smem:$0x3FFE];
	[sflag:s23] =	ssyncadd.s32 $0xFFFFFFFF  }
0xa5: {  	s26 =	simm.s32 $execute0_lowered;
	[smem:$0x3FD2] =	sst s25  }
0xa6: {  	s4 =	sshll.u32 s26, $0x1;
	_ =	strace $0x8000004C;
	[dreg:$0x1] =	wrdreg $0xFFFFFFFF  }
0xa7: {  	s28 =	simm.s32 $_size_execute0_lowered;
	s2 =	sadd.s32 s2, s4;
	[dreg:$0x0] =	wrdreg $0x0  }
0xa8: {  	s4 =	sshll.u32 s28, $0x1;
	[dreg:$0x2] =	wrdreg s2  }
0xa9: {  	[dreg:$0x3] =	wrdreg s4  }
0xaa: {  	[dreg:$0x4] =	wrdreg $0xC0  }
0xab: {  	_ =	task [dreg:s6], $0x5FFFF  }
0xac: {  	[dreg:$0x1] =	wrdreg $0xFFFFFFFF  }
0xad: {  	[dreg:$0x0] =	wrdreg $0x60  }
0xae: {  	[dreg:$0x2] =	wrdreg s24  }
0xaf: {  	[dreg:$0x3] =	wrdreg $0x102200  }
0xb0: {  	[dreg:$0x4] =	wrdreg $0x9  }
0xb1: {  	_ =	task.clear_ibuf [dreg:s6], $0x5FFFF;
	_ =	strace $0x9000004C  }
0xb2: {  	s29 =	simm.s32 $0x9;
	_ =	strace $0x8000004E  }
0xb3: {  	_ =	swait.ge [sflag:s29], $0x1  }
0xb4: {  	[sflag:s29] =	ssyncadd.s32 $0xFFFFFFFF  }
0xb5: {  	_ =	strace $0x9000004E  }
0xb6: {  	_ =	sfence  }
0xb7: {  	s30 =	sld [smem:$0x0];
	_ =	sdelay $0x2  }
0xb8: {  	s31 =	sshll.u32 s1, $0xD;
	s1 =	sshrl.u32 s1, $0x2  }
0xb9: {  	s3 =	sand.u32 $0x4000, s31;
	s1 =	sadd.s32 s1, s30  }
0xba: {  	s0 =	sor.u32 s3, s0;
	s1 =	sshll.u32 s1, $0x11  }
0xbb: {  	s0 =	sor.u32 s1, s0  }
0xbc: {  	s0 =	sadd.s32 $0x8F2B, s0  }
0xbd: {  	[sflag:s0] =	ssyncadd.remote.s32 $0x1  }
0xbe: {  	_ =	sfence.sel $0xFFFF  }
0xbf: {  	[dreg:$0x0] =	wrdreg $0xFFFFFFFF;
	(pc) =	sbr.abs _section_cstart, $3  }
0xc0: {  	[dreg:$0x1] =	wrdreg $0xFFFFFFFF  }
0xc1: {  	_ =	task.clear_ibuf [dreg:s6], $0x2FFFF;
	_ =	strace $0x9FFFFFFF  }
0xc2: {  	(tm) =	ssettm $0x7FFFFFFF  }
0xc3: {  	_ =	shalt  }
tec
execute0_lowered:
.L_overlay_start_1:
0x0: {  	(tag) =	ssettag $0x1  }
0x1: {  	s5 =	rddreg [dreg:$0x0]  }
0x2: {  	s2 =	rddreg [dreg:$0x1]  }
0x3: {  	s0 =	rddreg [dreg:$0x2]  }
0x4: {  	s4 =	srdreg.scid;
	s1 =	stileid.u32;
	s3 =	simm.s32 $0x0  }
0x5: {  	s12 =	simm.s32 $0xB220;
	s13 =	simm.s32 $0x190;
	s14 =	simm.s32 $0x4E20  }
0x6: {  	s15 =	simm.s32 $0x8020;
	s16 =	simm.s32 $0x1;
	s17 =	simm.s32 $0x2  }
0x7: {  	s18 =	simm.s32 $0x4C90;
	s6 =	sand.u32 $0x1, s4;
	s30 =	sshll.u32 s1, $0x1  }
0x8: {  	[smem:$0x7FF] =	sst s3;
	s10 =	smul.u32 $0xA000, s1;
	s4 =	sor.u32 s6, s30  }
0x9: {  	_ =	strace $0x8000004D;
	s8 =	smul.u32 $0xA000, s6;
	s6 =	ssub.s32 $0x2, s6  }
0xa: {  	s7 =	smul.u32 $0x4E2, s4;
	s4 =	sadd.s32 $0x16400, s5;
	s9 =	sshrl.u32 s6, $0x1  }
0xb: {  	s19 =	sshrl.u32 s10, $0x4;
	s31 =	sshrl.u32 s10, $0x1;
	s10 =	simm.s32 $0x3  }
0xc: {  	s11 =	sadd.s32 s8, s5;
	s9 =	ssub.s32 s6, s9;
	s8 =	sadd.s32 s31, s2  }
0xd: {  	s7 =	sadd.s32 s7, s5;
	s20 =	sadd.s32 $0x20400, s11;
	s9 =	smax.u32 s9, $0x1  }
0xe: {  	s11 =	simm.s32 $0x2710;
	s5 =	sadd.s32 $0x2800, s7;
	s6 =	sadd.s32 $0xC600, s7  }
0xf: {  	s7 =	sadd.s32 s4, s19;
	s19 =	sadd.s32 s19, s20;
	s20 =	simm.s32 $0x0  }
.LBB2_1:
0x10: {  	[tilespmem:s3], [sflag:$0x3] =	stream.linear.gather [hbm4b:s5+s3], $0x2710, $0x38;
	[tilespmem:$0x15220] =	vst v63  }
0x11: {  	_ =	swait.ge [sflag:s10], $0x2710  }
0x12: {  	[sflag:s10] =	ssyncset.done $0x0  }
0x13: {  	[sflag:s10] =	ssyncadd.s32 $0xFFFFD8F0  }
0x14: {  	[tilespmem:s11], [sflag:$0x3] =	stream.linear.gather [hbm4b:s6+s3], $0x2710, $0x38;
	[tilespmem:$0x15220] =	vst v63  }
0x15: {  	_ =	swait.ge [sflag:s10], $0x2710  }
0x16: {  	[sflag:s10] =	ssyncset.done $0x0  }
0x17: {  	[sflag:s10] =	ssyncadd.s32 $0xFFFFD8F0  }
0x18: {  	[tilespmem:s12], [sflag:$0x3] =	stream.linear.gather [hbm4b:s7+s3], $0x5000, $0x38;
	[tilespmem:$0x15220] =	vst v63  }
0x19: {  	_ =	swait.ge [sflag:s10], $0x5000  }
0x1a: {  	[sflag:s10] =	ssyncset.done $0x0  }
0x1b: {  	[sflag:s10] =	ssyncadd.s32 $0xFFFFB000  }
0x1c: {  	[spmem:s8] =	stream.linear.scatter [tilespmem:s12], [sflag:$0x3], $0x5000, $0x38;
	[tilespmem:$0x15220] =	vst v63  }
0x1d: {  	_ =	swait.ge [sflag:s10], $0x5000  }
0x1e: {  	[sflag:s10] =	ssyncset.done $0x0  }
0x1f: {  	[sflag:s10] =	ssyncadd.s32 $0xFFFFB000  }
0x20: {  	[bflag:$0x0] =	sbarrier.arrive $0xFFFF  }
0x21: {  	[tilespmem:s14], [sflag:$0x1] =	stream.indirect.gather [hbm4b:s4+s13], $0x20, s3, s13, $0xb8;
	[tilespmem:$0x15220] =	vst v63  }
0x22: {  	s21 =	simm.s32 $0x190  }
0x23: {  	[tilespmem:s15], [sflag:$0x2] =	stream.indirect.gather [hbm4b:s4+s13], $0x20, s21, s13, $0xb8;
	[tilespmem:$0x15220] =	vst v63  }
0x24: {  	_ =	swait.ge [sflag:s16], $0x3200  }
0x25: {  	[sflag:s16] =	ssyncset.done $0x0  }
0x26: {  	s29 =	simm.s32 $0x2710;
	[sflag:s16] =	ssyncadd.s32 $0xFFFFCE00  }
0x27: {  	[spmem:s2] =	stream.indirect.scatter.add.bf16 [tilespmem:s14], [sflag:$0x3], $0x20, s29, s13, $0xb8;
	[tilespmem:$0x15220] =	vst v63  }
0x28: {  	_ =	swait.ge [sflag:s10], $0x3200  }
0x29: {  	[sflag:s10] =	ssyncset.done $0x0  }
0x2a: {  	s30 =	simm.s32 $0x320;
	[sflag:s10] =	ssyncadd.s32 $0xFFFFCE00  }
0x2b: {  	[tilespmem:s14], [sflag:$0x1] =	stream.indirect.gather [hbm4b:s4+s13], $0x20, s30, s13, $0xb8;
	[tilespmem:$0x15220] =	vst v63  }
0x2c: {  	_ =	swait.ge [sflag:s17], $0x3200  }
0x2d: {  	[sflag:s17] =	ssyncset.done $0x0  }
0x2e: {  	s31 =	simm.s32 $0x28A0;
	[sflag:s17] =	ssyncadd.s32 $0xFFFFCE00  }
0x2f: {  	[spmem:s2] =	stream.indirect.scatter.add.bf16 [tilespmem:s15], [sflag:$0x3], $0x20, s31, s13, $0xb8;
	[tilespmem:$0x15220] =	vst v63  }
0x30: {  	_ =	swait.ge [sflag:s10], $0x3200  }
0x31: {  	s22 =	simm.s32 $0x1900;
	s21 =	simm.s32 $0x320;
	[sflag:s10] =	ssyncset.done $0x0  }
.LBB2_2:
0x32: {  	s23 =	sadd.s32 $0x190, s21  }
0x33: {  	[sflag:s10] =	ssyncadd.s32 $0xFFFFCE00;
	s24 =	smov.u32 s22;
	s25 =	sadd.s32 $0xC80, s22  }
0x34: {  	[tilespmem:s15], [sflag:$0x2] =	stream.indirect.gather [hbm4b:s4+s13], $0x20, s23, s13, $0xb8;
	[tilespmem:$0x15220] =	vst v63  }
0x35: {  	p0 =	sne.s32 s22, $0x8980;
	_ =	swait.ge [sflag:s16], $0x3200  }
0x36: {  	[sflag:s16] =	ssyncset.done $0x0  }
0x37: {  	s22 =	sadd.s32 $0x2710, s21;
	[sflag:s16] =	ssyncadd.s32 $0xFFFFCE00  }
0x38: {  	[spmem:s2] =	stream.indirect.scatter.add.bf16 [tilespmem:s14], [sflag:$0x3], $0x20, s22, s13, $0xb8;
	[tilespmem:$0x15220] =	vst v63  }
0x39: {  	_ =	swait.ge [sflag:s10], $0x3200  }
0x3a: {  	[sflag:s10] =	ssyncset.done $0x0  }
0x3b: {  	s22 =	sadd.s32 $0x320, s21;
	[sflag:s10] =	ssyncadd.s32 $0xFFFFCE00  }
0x3c: {  	[tilespmem:s14], [sflag:$0x1] =	stream.indirect.gather [hbm4b:s4+s13], $0x20, s22, s13, $0xb8;
	[tilespmem:$0x15220] =	vst v63  }
0x3d: {  	_ =	swait.ge [sflag:s17], $0x3200  }
.Ltmp0:
0x3e: {  	[sflag:s17] =	ssyncset.done $0x0;
	(pc) =	sbr.rel @p0 .LBB2_2-.Ltmp0, $4  }
0x3f: {  	s21 =	sadd.s32 $0x28A0, s21;
	[sflag:s17] =	ssyncadd.s32 $0xFFFFCE00  }
0x40: {  	[spmem:s2] =	stream.indirect.scatter.add.bf16 [tilespmem:s15], [sflag:$0x3], $0x20, s21, s13, $0xb8;
	[tilespmem:$0x15220] =	vst v63  }
0x41: {  	_ =	swait.ge [sflag:s10], $0x3200  }
0x42: {  	s22 =	smov.u32 s25;
	s21 =	sshra.s32 s24, $0x2;
	[sflag:s10] =	ssyncset.done $0x0  }
0x43: {  	s22 =	sadd.s32 $0x190, s21;
	[sflag:s10] =	ssyncadd.s32 $0xFFFFCE00  }
0x44: {  	[tilespmem:s15], [sflag:$0x2] =	stream.indirect.gather [hbm4b:s4+s13], $0x20, s22, s13, $0xb8;
	[tilespmem:$0x15220] =	vst v63  }
0x45: {  	_ =	swait.ge [sflag:s16], $0x3200  }
0x46: {  	[sflag:s16] =	ssyncset.done $0x0  }
0x47: {  	s29 =	sadd.s32 $0x2710, s21;
	[sflag:s16] =	ssyncadd.s32 $0xFFFFCE00  }
0x48: {  	[spmem:s2] =	stream.indirect.scatter.add.bf16 [tilespmem:s14], [sflag:$0x3], $0x20, s29, s13, $0xb8;
	[tilespmem:$0x15220] =	vst v63  }
0x49: {  	_ =	swait.ge [sflag:s10], $0x3200  }
0x4a: {  	[sflag:s10] =	ssyncset.done $0x0  }
0x4b: {  	s30 =	sadd.s32 $0x320, s21;
	[sflag:s10] =	ssyncadd.s32 $0xFFFFCE00  }
0x4c: {  	[tilespmem:s14], [sflag:$0x1] =	stream.indirect.gather [hbm4b:s4+s13], $0x20, s30, s13, $0xb8;
	[tilespmem:$0x15220] =	vst v63  }
0x4d: {  	_ =	swait.ge [sflag:s17], $0x3200  }
0x4e: {  	[sflag:s17] =	ssyncset.done $0x0  }
0x4f: {  	s31 =	sadd.s32 $0x28A0, s21;
	[sflag:s17] =	ssyncadd.s32 $0xFFFFCE00  }
0x50: {  	[spmem:s2] =	stream.indirect.scatter.add.bf16 [tilespmem:s15], [sflag:$0x3], $0x20, s31, s13, $0xb8;
	[tilespmem:$0x15220] =	vst v63  }
0x51: {  	_ =	swait.ge [sflag:s10], $0x3200  }
0x52: {  	[sflag:s10] =	ssyncset.done $0x0  }
0x53: {  	[sflag:s10] =	ssyncadd.s32 $0xFFFFCE00  }
0x54: {  	_ =	swait.ge [sflag:s16], $0x3200  }
0x55: {  	[sflag:s16] =	ssyncset.done $0x0  }
0x56: {  	[sflag:s16] =	ssyncadd.s32 $0xFFFFCE00  }
0x57: {  	[spmem:s2] =	stream.indirect.scatter.add.bf16 [tilespmem:s14], [sflag:$0x3], $0x20, s18, s13, $0xb8;
	[tilespmem:$0x15220] =	vst v63  }
0x58: {  	_ =	swait.ge [sflag:s10], $0x3200  }
0x59: {  	[sflag:s10] =	ssyncset.done $0x0  }
0x5a: {  	[sflag:s10] =	ssyncadd.s32 $0xFFFFCE00  }
0x5b: {  	[bflag:$0x0] =	sbarrier.arrive $0xFFFF  }
0x5c: {  	[tilespmem:s12], [sflag:$0x3] =	stream.linear.gather [spmem:s8], $0x5000, $0x38;
	[tilespmem:$0x15220] =	vst v63  }
0x5d: {  	s20 =	sadd.s32 $0x1, s20;
	_ =	swait.ge [sflag:s10], $0x5000  }
0x5e: {  	p0 =	sne.s32 s20, s9;
	[sflag:s10] =	ssyncset.done $0x0  }
.Ltmp1:
0x5f: {  	[sflag:s10] =	ssyncadd.s32 $0xFFFFB000;
	(pc) =	sbr.rel @p0 .LBB2_1-.Ltmp1, $4  }
0x60: {  	[hbm4b:s19+s3] =	stream.linear.scatter [tilespmem:s12], [sflag:$0x3], $0x5000, $0x38;
	[tilespmem:$0x15220] =	vst v63  }
0x61: {  	_ =	swait.ge [sflag:s10], $0x5000  }
0x62: {  	[sflag:s10] =	ssyncset.done $0x0  }
0x63: {  	[sflag:s10] =	ssyncadd.s32 $0xFFFFB000  }
0x64: {  	_ =	sfence.sel $0x180000  }
0x65: {  	[bflag:$0x0] =	sbarrier.arrive $0xFFFF  }
0x66: {  	p0 =	sne.s32 s1, $0x0;
	_ =	strace $0x9000004D  }
0x67: {  	s0 =	sadd.s32 @!p0 $0x100000, s0;
	[bflag:$0x2] =	sbarrier.arrive $0xFFFF  }
0x68: {  	[sflag:s0] =	ssyncadd.tile.s32 @!p0 $0x1;
	_ =	shalt  }
.Lfunc_end2:
_tile_overlayer_lowered:
.L_overlay_start_2:
0x69: {  	(tag) =	ssettag $0x2  }
0x6a: {  	s0 =	rddreg [dreg:$0x0];
	s2 =	stileid.u32  }
0x6b: {  	s1 =	rddreg [dreg:$0x1];
	p0 =	sne.s32 s2, $0x0  }
0x6c: {  	s3 =	rddreg [dreg:$0x2];
	[bflag:$0x3] =	sbarrier.arrive $0xFFFF;
	s2 =	simm.s32 @!p0 $0x1C03  }
0x6d: {  	[timem:s3], [sflag:s2] =	dma.local @!p0 [hbm:s0], s1  }
0x6e: {  	s0 =	simm.s32 @!p0 $0x3  }
0x6f: {  	_ =	swait.ge @!p0 [sflag:s0], s1  }
0x70: {  	s1 =	ssub.s32 @!p0 $0x0, s1;
	[sflag:s0] =	ssyncset.done @!p0 $0x0  }
0x71: {  	[sflag:s0] =	ssyncadd.s32 @!p0 s1  }
0x72: {  	[bflag:$0x3] =	sbarrier.arrive $0xFFFF  }
0x73: {  	_ =	shalt  }

// kernel: kernel.8.cloned.1.call-start
scs
__scs_entry_jumppad:
0x0: {  	(pc) =	sbr.rel $0x88, $3  }
0x1: {  	(tag) =	ssettag $0x0;
	lr =	simm.s32 $0x1  }
0x2: {  	[smem:$0x3F91] =	sst lr;
	_ =	strace $0xD0000000  }
0x3: {  	_ = 	snop  }
0x4: {  	_ = 	snop  }
0x5: {  	_ = 	snop  }
0x6: {  	_ = 	snop  }
0x7: {  	_ = 	snop  }
__scs_overlays_trampoline_lowered:
0x8: {  	[smem:$0x3FA0] =	sst s0  }
0x9: {  	[smem:$0x3FA1] =	sst s1  }
0xa: {  	[smem:$0x3FA2] =	sst s2  }
0xb: {  	[smem:$0x3FA3] =	sst s3  }
0xc: {  	[smem:$0x3FA4] =	sst s4  }
0xd: {  	[smem:$0x3FA5] =	sst s5  }
0xe: {  	[smem:$0x3FA6] =	sst s6  }
0xf: {  	[smem:$0x3FA7] =	sst s7  }
0x10: {  	[smem:$0x3FA8] =	sst s8  }
0x11: {  	[smem:$0x3FA9] =	sst s9;
	s0 =	simm.s32 @!p0 $0x0  }
0x12: {  	s1 =	sld [smem:$0x3F8F];
	s0 =	simm.s32 @p0 $0x1  }
0x13: {  	[smem:$0x3FAA] =	sst s0;
	s0 =	simm.s32 @!p1 $0x0  }
0x14: {  	s2 =	sld [smem:$0x3F8E];
	s0 =	simm.s32 @p1 $0x1  }
0x15: {  	[smem:$0x3FAB] =	sst s0;
	s0 =	simm.s32 @!p2 $0x0  }
0x16: {  	s3 =	sld [smem:$0x3FDB];
	s0 =	simm.s32 @p2 $0x1  }
0x17: {  	s4 =	simm.s32 $0x1BF5;
	[smem:$0x3FAD] =	sst s0  }
0x18: {  	s0 =	sld [smem:$0x3F90];
	_ =	swait.ge [sflag:s4], $0x0  }
0x19: {  	s7 =	sld [smem:$0x3F91]  }
0x1a: {  	s8 =	sadd.s32 $0xFFFFE003, lr  }
0x1b: {  	s9 =	sadd.s32 $0xFFFFFEF7, lr;
	s5 =	simm.s32 $0xFFFFFFFF;
	p2 =	slt.u32 s8, $0xFFFFF086  }
0x1c: {  	p1 =	slt.u32 s9, $0xF7A;
	s5 =	simm.s32 @!p2 $0x0  }
0x1d: {  	s5 =	simm.s32 @p1 $0x1;
	p0 =	seq.s32 s7, s2  }
0x1e: {  	s7 =	smul.u32 @!p0 $0xF7A, s2;
	p2 =	seq.s32 @!p0 s5, $0x0  }
0x1f: {  	s9 =	smul.u32 $0xF7A, s1;
	s8 =	simm.s32 @!p0 $0x1BF5;
	p2 =	por !p2, p0  }
0x20: {  	[sflag:s8] =	ssyncset.s32 @!p0 $0xFFFFF086;
	s6 =	sadd.s32 @!p0 s3, s7;
	s7 =	simm.s32 @!p0 $0x108  }
0x21: {  	s3 =	sadd.s32 s3, s9;
	s6 =	sadd.s32 @!p0 $0x88, s6;
	s7 =	simm.s32 @p2 $0x1082  }
0x22: {  	[simem:s7], [sflag:s8] =	dma.local @!p0 [hbm:s6], $0xF7A  }
0x23: {  	s9 =	sor.u32 $0xD0000000, s2;
	s6 =	simm.s32 $0x108;
	_ =	swait.ge @!p0 [sflag:s8], $0x0  }
0x24: {  	s3 =	sadd.s32 $0x88, s3;
	s6 =	simm.s32 @!p1 $0x1082;
	[sflag:s4] =	ssyncset.s32 $0xFFFFF086  }
0x25: {  	[simem:s6], [sflag:s4] =	dma.local [hbm:s3], $0xF7A  }
0x26: {  	[smem:$0x3F91] =	sst s1;
	(tag) =	ssettag s2;
	_ =	strace s9  }
0x27: {  	s1 =	sld [smem:$0x3FA1]  }
0x28: {  	s2 =	sld [smem:$0x3FA2]  }
0x29: {  	s4 =	sld [smem:$0x3FA4]  }
0x2a: {  	p0 =	seq.s32 s5, $0x0;
	s5 =	sld [smem:$0x3FA5]  }
0x2b: {  	s6 =	sld [smem:$0x3FA6]  }
0x2c: {  	s7 =	sld [smem:$0x3FA7]  }
0x2d: {  	s3 =	simm.s32 $0x108;
	s8 =	sld [smem:$0x3FA8]  }
0x2e: {  	s3 =	simm.s32 @!p0 $0x1082;
	s9 =	sld [smem:$0x3FA9]  }
0x2f: {  	lr =	sadd.s32 s0, s3;
	s0 =	sld [smem:$0x3FA0]  }
0x30: {  	s3 =	sld [smem:$0x3FA3]  }
0x31: {  	[smem:$0x3FAC] =	sst s10  }
0x32: {  	s10 =	sld [smem:$0x3FAA];
	_ =	sdelay $0x3  }
0x33: {  	p0 =	seq.s32 s10, $0x1;
	s10 =	sld [smem:$0x3FAC];
	_ =	sdelay $0x3  }
0x34: {  	[smem:$0x3FAC] =	sst s10  }
0x35: {  	s10 =	sld [smem:$0x3FAB];
	_ =	sdelay $0x3  }
0x36: {  	p1 =	seq.s32 s10, $0x1;
	s10 =	sld [smem:$0x3FAC];
	_ =	sdelay $0x3  }
0x37: {  	[smem:$0x3FAC] =	sst s10  }
0x38: {  	s10 =	sld [smem:$0x3FAD]  }
0x39: {  	_ = 	snop;
	(pc) =	sbr.ind lr, $3  }
0x3a: {  	_ = 	snop  }
0x3b: {  	_ = 	snop  }
0x3c: {  	p2 =	seq.s32 s10, $0x1;
	s10 =	sld [smem:$0x3FAC]  }
0x3d: {  	_ =	shalt  }
0x3e: {  	_ =	shalt  }
0x3f: {  	_ =	shalt  }
0x40: {  	_ =	shalt  }
0x41: {  	_ =	shalt  }
0x42: {  	_ =	shalt  }
0x43: {  	_ =	shalt  }
0x44: {  	_ =	shalt  }
0x45: {  	_ =	shalt  }
0x46: {  	_ =	shalt  }
0x47: {  	_ =	shalt  }
0x48: {  	_ =	shalt  }
0x49: {  	_ =	shalt  }
0x4a: {  	_ =	shalt  }
0x4b: {  	_ =	shalt  }
0x4c: {  	_ =	shalt  }
0x4d: {  	_ =	shalt  }
0x4e: {  	_ =	shalt  }
0x4f: {  	_ =	shalt  }
0x50: {  	_ =	shalt  }
0x51: {  	_ =	shalt  }
0x52: {  	_ =	shalt  }
0x53: {  	_ =	shalt  }
0x54: {  	_ =	shalt  }
0x55: {  	_ =	shalt  }
0x56: {  	_ =	shalt  }
0x57: {  	_ =	shalt  }
0x58: {  	_ =	shalt  }
0x59: {  	_ =	shalt  }
0x5a: {  	_ =	shalt  }
0x5b: {  	_ =	shalt  }
0x5c: {  	_ =	shalt  }
0x5d: {  	_ =	shalt  }
0x5e: {  	_ =	shalt  }
0x5f: {  	_ =	shalt  }
0x60: {  	_ =	shalt  }
0x61: {  	_ =	shalt  }
0x62: {  	_ =	shalt  }
0x63: {  	_ =	shalt  }
0x64: {  	_ =	shalt  }
0x65: {  	_ =	shalt  }
0x66: {  	_ =	shalt  }
0x67: {  	_ =	shalt  }
0x68: {  	_ =	shalt  }
0x69: {  	_ =	shalt  }
0x6a: {  	_ =	shalt  }
0x6b: {  	_ =	shalt  }
0x6c: {  	_ =	shalt  }
0x6d: {  	_ =	shalt  }
0x6e: {  	_ =	shalt  }
0x6f: {  	_ =	shalt  }
0x70: {  	_ =	shalt  }
0x71: {  	_ =	shalt  }
0x72: {  	_ =	shalt  }
0x73: {  	_ =	shalt  }
0x74: {  	_ =	shalt  }
0x75: {  	_ =	shalt  }
0x76: {  	_ =	shalt  }
0x77: {  	_ =	shalt  }
0x78: {  	_ =	shalt  }
0x79: {  	_ =	shalt  }
0x7a: {  	_ =	shalt  }
0x7b: {  	_ =	shalt  }
0x7c: {  	_ =	shalt  }
0x7d: {  	_ =	shalt  }
0x7e: {  	_ =	shalt  }
0x7f: {  	_ =	shalt  }
0x80: {  	_ =	shalt  }
0x81: {  	_ =	shalt  }
0x82: {  	_ =	shalt  }
0x83: {  	_ =	shalt  }
0x84: {  	_ =	shalt  }
0x85: {  	_ =	shalt  }
0x86: {  	_ =	shalt  }
0x87: {  	_ =	shalt  }
.Lfunc_end0:
.L_simem_size_0:
called_computation_lowered:
.L_overlay_start_0:
0x88: {  	s2 =	sld [smem:$0x3FD9]  }
0x89: {  	s3 =	sld [smem:$0x3FFE];
	_ =	sdelay $0x1  }
0x8a: {  	s1 =	srdreg.scid  }
0x8b: {  	s0 =	sand.u32 $0x1, s1  }
0x8c: {  	s16 =	sshll.u32 s0, $0xA;
	s2 =	sadd.s32 s3, s2  }
0x8d: {  	s2 =	sadd.s32 s2, s16  }
0x8e: {  	[smem:$0x3FB8] =	sst s2  }
0x8f: {  	_ = 	snop  }
0x90: {  	(tm) =	ssettm $0x1  }
0x91: {  	s17 =	sld [smem:$0x3FFB];
	_ =	sdelay $0x3  }
0x92: {  	_ =	strace s17  }
0x93: {  	s2 =	sld [smem:$0x3FFC];
	_ =	sdelay $0x3  }
0x94: {  	_ =	strace s2  }
0x95: {  	s2 =	sld [smem:$0x3FFD];
	_ =	sdelay $0x3  }
0x96: {  	_ =	strace s2  }
0x97: {  	_ =	strace $0x8FFFFFFF  }
0x98: {  	s18 =	sld [smem:$0x3FDB];
	_ =	sdelay $0x1  }
0x99: {  	s19 =	simm.s32 $_scs_section_size  }
0x9a: {  	s4 =	simm.s32 $_size__tile_overlayer_lowered;
	s5 =	simm.s32 $_tile_overlayer_lowered  }
0x9b: {  	s22 =	simm.s32 $0x1BFF;
	s21 =	sshll.u32 s5, $0x1;
	s2 =	sadd.s32 s19, s18  }
0x9c: {  	s6 =	simm.s32 $0x0;
	s20 =	sshll.u32 s4, $0x1;
	s4 =	sadd.s32 s21, s2  }
0x9d: {  	[timem:s6], [sflag:s22] =	dma.local [hbm:s4], s20  }
0x9e: {  	_ =	swait.ge [sflag:s22], s20  }
0x9f: {  	s3 =	ssub.s32 $0x0, s20;
	[sflag:s22] =	ssyncset.done $0x0  }
0xa0: {  	[sflag:s22] =	ssyncadd.s32 s3;
	_ =	sdelay $0x1  }
0xa1: {  	s23 =	simm.s32 $0x1B8B  }
0xa2: {  	_ =	swait.ge [sflag:s23], $0x1  }
0xa3: {  	[sflag:s23] =	ssyncset.done $0x0  }
0xa4: {  	s25 =	simm.s32 $0x1B8E;
	s24 =	sld [smem:$0x3FFE];
	[sflag:s23] =	ssyncadd.s32 $0xFFFFFFFF  }
0xa5: {  	s26 =	simm.s32 $execute0_lowered;
	[smem:$0x3FD2] =	sst s25  }
0xa6: {  	s4 =	sshll.u32 s26, $0x1;
	_ =	strace $0x80000046;
	[dreg:$0x1] =	wrdreg $0xFFFFFFFF  }
0xa7: {  	s28 =	simm.s32 $_size_execute0_lowered;
	s2 =	sadd.s32 s2, s4;
	[dreg:$0x0] =	wrdreg $0x0  }
0xa8: {  	s4 =	sshll.u32 s28, $0x1;
	[dreg:$0x2] =	wrdreg s2  }
0xa9: {  	[dreg:$0x3] =	wrdreg s4  }
0xaa: {  	[dreg:$0x4] =	wrdreg $0xC0  }
0xab: {  	_ =	task [dreg:s6], $0x5FFFF  }
0xac: {  	[dreg:$0x1] =	wrdreg $0xFFFFFFFF  }
0xad: {  	[dreg:$0x0] =	wrdreg $0x60  }
0xae: {  	[dreg:$0x2] =	wrdreg s24  }
0xaf: {  	[dreg:$0x3] =	wrdreg $0x47900  }
0xb0: {  	[dreg:$0x4] =	wrdreg $0x9  }
0xb1: {  	_ =	task.clear_ibuf [dreg:s6], $0x5FFFF;
	_ =	strace $0x90000046  }
0xb2: {  	s29 =	simm.s32 $0x9;
	_ =	strace $0x80000048  }
0xb3: {  	_ =	swait.ge [sflag:s29], $0x1  }
0xb4: {  	[sflag:s29] =	ssyncadd.s32 $0xFFFFFFFF  }
0xb5: {  	_ =	strace $0x90000048  }
0xb6: {  	_ =	sfence  }
0xb7: {  	s30 =	sld [smem:$0x0];
	_ =	sdelay $0x2  }
0xb8: {  	s31 =	sshll.u32 s1, $0xD;
	s1 =	sshrl.u32 s1, $0x2  }
0xb9: {  	s3 =	sand.u32 $0x4000, s31;
	s1 =	sadd.s32 s1, s30  }
0xba: {  	s0 =	sor.u32 s3, s0;
	s1 =	sshll.u32 s1, $0x11  }
0xbb: {  	s0 =	sor.u32 s1, s0  }
0xbc: {  	s0 =	sadd.s32 $0x8F2B, s0  }
0xbd: {  	[sflag:s0] =	ssyncadd.remote.s32 $0x1  }
0xbe: {  	_ =	sfence.sel $0xFFFF  }
0xbf: {  	[dreg:$0x0] =	wrdreg $0xFFFFFFFF;
	(pc) =	sbr.abs _section_cstart, $3  }
0xc0: {  	[dreg:$0x1] =	wrdreg $0xFFFFFFFF  }
0xc1: {  	_ =	task.clear_ibuf [dreg:s6], $0x2FFFF;
	_ =	strace $0x9FFFFFFF  }
0xc2: {  	(tm) =	ssettm $0x7FFFFFFF  }
0xc3: {  	_ =	shalt  }
tec
execute0_lowered:
.L_overlay_start_1:
0x0: {  	(tag) =	ssettag $0x1  }
0x1: {  	s1 =	srdreg.scid;
	s5 =	rddreg [dreg:$0x0]  }
0x2: {  	s0 =	stileid.u32;
	s2 =	rddreg [dreg:$0x1];
	s3 =	simm.s32 $0x0  }
0x3: {  	s12 =	simm.s32 $0x190;
	s6 =	sand.u32 $0x1, s1;
	s1 =	rddreg [dreg:$0x2]  }
0x4: {  	s30 =	sshll.u32 s0, $0x1;
	[smem:$0x7FF] =	sst s3;
	s8 =	smul.u32 $0x1400, s0  }
0x5: {  	s4 =	sor.u32 s6, s30;
	s7 =	smul.u32 $0x2800, s6;
	s6 =	ssub.s32 $0x2, s6  }
0x6: {  	_ =	strace $0x80000047;
	s4 =	smul.u32 $0x4E2, s4;
	s31 =	sshrl.u32 s6, $0x1  }
0x7: {  	s13 =	sshrl.u32 s8, $0x3;
	s10 =	sadd.s32 s7, s5;
	s11 =	ssub.s32 s6, s31  }
0x8: {  	s7 =	sadd.s32 s8, s2;
	s9 =	sadd.s32 s4, s5;
	s4 =	sadd.s32 $0x16400, s5  }
0x9: {  	s14 =	sadd.s32 $0x18C00, s10;
	s8 =	smax.u32 s11, $0x1;
	s10 =	simm.s32 $0x2710  }
0xa: {  	s11 =	simm.s32 $0x3390;
	s5 =	sadd.s32 $0xC600, s9;
	s6 =	sadd.s32 s4, s13  }
0xb: {  	s9 =	simm.s32 $0x1;
	s13 =	sadd.s32 s13, s14;
	s14 =	simm.s32 $0x0  }
.LBB2_1:
0xc: {  	[tilespmem:s3], [sflag:$0x1] =	stream.linear.gather [hbm4b:s5+s3], $0x2710, $0x38;
	[tilespmem:$0x5B90] =	vst v63  }
0xd: {  	_ =	swait.ge [sflag:s9], $0x2710  }
0xe: {  	[sflag:s9] =	ssyncset.done $0x0  }
0xf: {  	[sflag:s9] =	ssyncadd.s32 $0xFFFFD8F0  }
0x10: {  	[tilespmem:s10], [sflag:$0x1] =	stream.linear.gather [hbm4b:s4+s3], $0xC80, $0x38;
	[tilespmem:$0x5B90] =	vst v63  }
0x11: {  	_ =	swait.ge [sflag:s9], $0xC80  }
0x12: {  	[sflag:s9] =	ssyncset.done $0x0  }
0x13: {  	[sflag:s9] =	ssyncadd.s32 $0xFFFFF380  }
0x14: {  	[tilespmem:s11], [sflag:$0x1] =	stream.linear.gather [hbm4b:s6+s3], $0x1400, $0x38;
	[tilespmem:$0x5B90] =	vst v63  }
0x15: {  	_ =	swait.ge [sflag:s9], $0x1400  }
0x16: {  	[sflag:s9] =	ssyncset.done $0x0  }
0x17: {  	[sflag:s9] =	ssyncadd.s32 $0xFFFFEC00  }
0x18: {  	[spmem:s7] =	stream.linear.scatter [tilespmem:s11], [sflag:$0x1], $0x1400, $0x38;
	[tilespmem:$0x5B90] =	vst v63  }
0x19: {  	_ =	swait.ge [sflag:s9], $0x1400  }
0x1a: {  	[sflag:s9] =	ssyncset.done $0x0  }
0x1b: {  	[sflag:s9] =	ssyncadd.s32 $0xFFFFEC00  }
0x1c: {  	s15 =	simm.s32 $0x0;
	[bflag:$0x0] =	sbarrier.arrive $0xFFFF  }
0x1d: {  	[spmem:s2] =	stream.indirect.scatter.add.f32 [tilespmem:s10], [sflag:$0x1], $0x8, s15, s12, $0xb8;
	[tilespmem:$0x5B90] =	vst v63  }
0x1e: {  	_ =	swait.ge [sflag:s9], $0xC80  }
0x1f: {  	s15 =	simm.s32 $0x640;
	[sflag:s9] =	ssyncset.done $0x0  }
.LBB2_2:
0x20: {  	s16 =	sshra.s32 s15, $0x2;
	[sflag:s9] =	ssyncadd.s32 $0xFFFFF380;
	p0 =	sne.s32 s15, $0x9600  }
0x21: {  	[spmem:s2] =	stream.indirect.scatter.add.f32 [tilespmem:s10], [sflag:$0x1], $0x8, s16, s12, $0xb8;
	[tilespmem:$0x5B90] =	vst v63  }
.Ltmp0:
0x22: {  	_ = 	snop;
	(pc) =	sbr.rel @p0 .LBB2_2-.Ltmp0, $4  }
0x23: {  	_ = 	snop  }
0x24: {  	s15 =	sadd.s32 $0x640, s15  }
0x25: {  	_ =	swait.ge [sflag:s9], $0xC80  }
0x26: {  	[sflag:s9] =	ssyncset.done $0x0  }
0x27: {  	[sflag:s9] =	ssyncadd.s32 $0xFFFFF380  }
0x28: {  	[bflag:$0x0] =	sbarrier.arrive $0xFFFF  }
0x29: {  	[tilespmem:s11], [sflag:$0x1] =	stream.linear.gather [spmem:s7], $0x1400, $0x38;
	[tilespmem:$0x5B90] =	vst v63  }
0x2a: {  	s14 =	sadd.s32 $0x1, s14;
	_ =	swait.ge [sflag:s9], $0x1400  }
0x2b: {  	p0 =	sne.s32 s14, s8;
	[sflag:s9] =	ssyncset.done $0x0  }
.Ltmp1:
0x2c: {  	[sflag:s9] =	ssyncadd.s32 $0xFFFFEC00;
	(pc) =	sbr.rel @p0 .LBB2_1-.Ltmp1, $4  }
0x2d: {  	[hbm4b:s13+s3] =	stream.linear.scatter [tilespmem:s11], [sflag:$0x1], $0x1400, $0x38;
	[tilespmem:$0x5B90] =	vst v63  }
0x2e: {  	_ =	swait.ge [sflag:s9], $0x1400  }
0x2f: {  	[sflag:s9] =	ssyncset.done $0x0  }
0x30: {  	[sflag:s9] =	ssyncadd.s32 $0xFFFFEC00  }
0x31: {  	_ =	sfence.sel $0x180000  }
0x32: {  	[bflag:$0x0] =	sbarrier.arrive $0xFFFF  }
0x33: {  	p0 =	sne.s32 s0, $0x0;
	_ =	strace $0x90000047  }
0x34: {  	s0 =	sadd.s32 @!p0 $0x100000, s1;
	[bflag:$0x2] =	sbarrier.arrive $0xFFFF  }
0x35: {  	[sflag:s0] =	ssyncadd.tile.s32 @!p0 $0x1;
	_ =	shalt  }
.Lfunc_end2:
_tile_overlayer_lowered:
.L_overlay_start_2:
0x36: {  	(tag) =	ssettag $0x2  }
0x37: {  	s0 =	rddreg [dreg:$0x0];
	s2 =	stileid.u32  }
0x38: {  	s1 =	rddreg [dreg:$0x1];
	p0 =	sne.s32 s2, $0x0  }
0x39: {  	s3 =	rddreg [dreg:$0x2];
	[bflag:$0x3] =	sbarrier.arrive $0xFFFF;
	s2 =	simm.s32 @!p0 $0x1C01  }
0x3a: {  	[timem:s3], [sflag:s2] =	dma.local @!p0 [hbm:s0], s1  }
0x3b: {  	s0 =	simm.s32 @!p0 $0x1  }
0x3c: {  	_ =	swait.ge @!p0 [sflag:s0], s1  }
0x3d: {  	s1 =	ssub.s32 @!p0 $0x0, s1;
	[sflag:s0] =	ssyncset.done @!p0 $0x0  }
0x3e: {  	[sflag:s0] =	ssyncadd.s32 @!p0 s1  }
0x3f: {  	[bflag:$0x3] =	sbarrier.arrive $0xFFFF  }
0x40: {  	_ =	shalt  }

</sc_bundles>
